<compile_context>
chip_gen: v7x
topology: tpu7x:2x2x1
jax: 0.10.2.dev20260603
libtpu: 0.0.44.dev20260713+nightly
codegen_flags: <defaults>
</compile_context>

<pallas_src>
import functools

import jax
import jax.numpy as jnp
from jax import lax
from jax.experimental import pallas as pl
from jax.experimental.pallas import tpu as pltpu
from jax.experimental.pallas import tpu_sc as plsc

NUM_CORES = 2
NUM_SUBCORES = 16
NUM_WORKERS = NUM_CORES * NUM_SUBCORES
B = 128
ROW = 1024
ROWS_PER_BATCH = 256
BATCHES_PER_WORKER = B // NUM_WORKERS
CHUNK_ROWS = 32
CHUNK = CHUNK_ROWS * ROW
CHUNKS_PER_BATCH = ROWS_PER_BATCH // CHUNK_ROWS
TOTAL_CHUNKS = BATCHES_PER_WORKER * CHUNKS_PER_BATCH
PAIRS = TOTAL_CHUNKS // 2
HIST1 = 256 * 16
HIST = BATCHES_PER_WORKER * HIST1


def _make_kernel():
    mesh = plsc.VectorSubcoreMesh(
        core_axis_name="c", subcore_axis_name="s", num_cores=NUM_CORES
    )

    @functools.partial(
        pl.kernel,
        mesh=mesh,
        out_type=jax.ShapeDtypeStruct((NUM_WORKERS, 64), jnp.float32),
        compiler_params=pltpu.CompilerParams(
            needs_layout_passes=False,
            disable_bounds_checks=True,
            disable_semaphore_checks=True,
            skip_device_barrier=True,
        ),
        scratch_types=[
            pltpu.VMEM((CHUNK_ROWS, ROW), jnp.int32),
            pltpu.VMEM((CHUNK_ROWS, ROW), jnp.int32),
            pltpu.VMEM((HIST,), jnp.float32),
            pltpu.VMEM((64,), jnp.float32),
            pltpu.SemaphoreType.DMA,
            pltpu.SemaphoreType.DMA,
        ],
    )
    def hist_kernel(x_hbm, out_hbm, buf0, buf1, hist, res, sem0, sem1):
        w = lax.axis_index("s") * NUM_CORES + lax.axis_index("c")
        lane = lax.iota(jnp.int32, 16)
        ones = jnp.ones((16,), jnp.float32)
        fzero = jnp.zeros((16,), jnp.float32)
        row0 = w * BATCHES_PER_WORKER * ROWS_PER_BATCH

        def start(t, buf, sem):
            pltpu.async_copy(
                x_hbm.at[pl.ds(row0 + t * CHUNK_ROWS, CHUNK_ROWS)], buf, sem
            )

        def wait(buf, sem):
            pltpu.make_async_copy(
                x_hbm.at[pl.ds(0, CHUNK_ROWS)], buf, sem
            ).wait()

        start(0, buf0, sem0)
        start(1, buf1, sem1)

        @plsc.parallel_loop(0, HIST, 16, unroll=8)
        def _(i):
            hist[pl.ds(i, 16)] = fzero

        def consume(t, buf, sem, last):
            wait(buf, sem)
            base = lane + (t >> 3) * HIST1

            @plsc.parallel_loop(0, CHUNK // 16, 1, unroll=8)
            def _(i):
                r = i >> 6
                col = (i & 63) << 4
                vals = buf[r, pl.ds(col, 16)]
                idx = (vals << 4) + base
                plsc.addupdate_scatter(hist, [idx], ones)

            @pl.when(jnp.logical_not(last))
            def _():
                start(t + 2, buf, sem)

        def pbody(p, carry):
            consume(2 * p, buf0, sem0, p == PAIRS - 1)
            consume(2 * p + 1, buf1, sem1, p == PAIRS - 1)
            return carry

        lax.fori_loop(0, PAIRS, pbody, 0)

        for j in range(BATCHES_PER_WORKER):

            @plsc.parallel_loop(0, 256, 1, unroll=4, carry=jnp.float32(0.0))
            def mx(v, m):
                row = hist[pl.ds(j * HIST1 + v * 16, 16)]
                return jnp.maximum(m, jnp.sum(row))

            res[pl.ds(j * 16, 16)] = jnp.full((16,), mx, jnp.float32)

        pltpu.sync_copy(res, out_hbm.at[w])

    return hist_kernel


_hist_kernel = _make_kernel()


def kernel(inputs):
    x = inputs.transpose(0, 2, 3, 1).reshape(B * ROWS_PER_BATCH, ROW)
    padded = _hist_kernel(x)
    return padded.reshape(B, 16)[:, 0]

# --- scband reference (transcript-rebuilt; emitter-appended) ---
"""Pipeline reference for scband-percolation-m-66048007078107 (READ-ONLY COPY).

The authoritative reference and input builder live on the scoring server;
editing this copy changes nothing except your own understanding.
"""

import jax, jax.numpy as jnp
import numpy as np

NUM_BINS = 256  # values generated in [0, 256); tf.math.bincount length = max+1 <= 256; extra zero bins do not change reduce_max

def setup_inputs(seed: int = 0) -> dict:
    key = jax.random.key(seed)
    inputs = jax.random.randint(key, (128, 1024, 16, 16), 0, 256, dtype=jnp.int32)
    return {"inputs": inputs}

def reference(inputs):
    # Faithful translation of PercolationM.call:
    #   reshape [B, P, S, S] -> [B, P, S*S]
    #   per batch element: reduce_max(bincount(flattened image))
    B = inputs.shape[0]
    flat = inputs.reshape(B, -1)  # bincount in tf flattens the whole [P, S*S] block per map_fn element
    counts = jnp.zeros((B, NUM_BINS), dtype=jnp.int32).at[jnp.arange(B)[:, None], flat].add(1)
    out = jnp.max(counts, axis=1).astype(jnp.float32)
    return out

if __name__ == "__main__":
    import jax
    _d = setup_inputs()
    print(jax.jit(kernel)(*tuple(_d.values())))

</pallas_src>

<mosaic_0001>
#map = affine_map<(d0, d1) -> (0, 0)>
module attributes {stable_mosaic.version = 14 : i64} {
  func.func @hist_kernel(%arg0: i32, %arg1: i32, %arg2: memref<32768x1024xi32, #tpu.memory_space<hbm>>, %arg3: memref<32x64xf32, #tpu.memory_space<hbm>>, %arg4: memref<32x1024xi32, #tpu.memory_space<vmem>>, %arg5: memref<32x1024xi32, #tpu.memory_space<vmem>>, %arg6: memref<16384xf32, #tpu.memory_space<vmem>>, %arg7: memref<64xf32, #tpu.memory_space<vmem>>, %arg8: memref<!tpu.dma_semaphore, #tpu.memory_space<semaphore_mem>>, %arg9: memref<!tpu.dma_semaphore, #tpu.memory_space<semaphore_mem>>) attributes {dimension_semantics = [#tpu.dimension_semantics<core_parallel>, #tpu.dimension_semantics<subcore_parallel>], iteration_bounds = array<i64: 2, 16>, scalar_prefetch = 0 : i64, scratch_operands = 6 : i64, tpu.core_type = #tpu.core_type<sc_vector_subcore>, window_params = [{transform_indices = #map}, {transform_indices = #map}]} {
    %mul3A = arith.constant 2 : i32
    %mul3A_0 = arith.muli %arg1, %mul3A : i32
    %add3A = arith.addi %mul3A_0, %arg0 : i32
    %iota3A = tpu.iota {dimensions = array<i32: 0>} : vector<16xi32>
    %broadcast_in_dim3A = arith.constant 1.000000e+00 : f32
    %broadcast_in_dim3A_1 = vector.broadcast %broadcast_in_dim3A : f32 to vector<16xf32>
    %broadcast_in_dim3A_2 = arith.constant 0.000000e+00 : f32
    %broadcast_in_dim3A_3 = vector.broadcast %broadcast_in_dim3A_2 : f32 to vector<16xf32>
    %mul3A_4 = arith.constant 4 : i32
    %mul3A_5 = arith.muli %add3A, %mul3A_4 : i32
    %mul3A_6 = arith.constant 256 : i32
    %mul3A_7 = arith.muli %mul3A_5, %mul3A_6 : i32
    %add3A_8 = arith.constant 0 : i32
    %add3A_9 = arith.addi %mul3A_7, %add3A_8 : i32
    %dma_start3A = arith.constant 0 : i32
    %dma_start3A_10 = tpu.memref_slice %arg2[%add3A_9, %dma_start3A] : memref<32768x1024xi32, #tpu.memory_space<hbm>> -> memref<32x1024xi32, #tpu.memory_space<hbm>>
    %dma_start3A_11 = arith.constant 0 : i32
    %dma_start3A_12 = tpu.memref_slice %arg2[%add3A_9, %dma_start3A_11] : memref<32768x1024xi32, #tpu.memory_space<hbm>> -> memref<32x1024xi32, #tpu.memory_space<hbm>>
    tpu.enqueue_dma source(%dma_start3A_12 : memref<32x1024xi32, #tpu.memory_space<hbm>>) target(%arg4 : memref<32x1024xi32, #tpu.memory_space<vmem>>) target_semaphore(%arg8 : memref<!tpu.dma_semaphore, #tpu.memory_space<semaphore_mem>>)
    %add3A_13 = arith.constant 32 : i32
    %add3A_14 = arith.addi %mul3A_7, %add3A_13 : i32
    %dma_start3A_15 = arith.constant 0 : i32
    %dma_start3A_16 = tpu.memref_slice %arg2[%add3A_14, %dma_start3A_15] : memref<32768x1024xi32, #tpu.memory_space<hbm>> -> memref<32x1024xi32, #tpu.memory_space<hbm>>
    %dma_start3A_17 = arith.constant 0 : i32
    %dma_start3A_18 = tpu.memref_slice %arg2[%add3A_14, %dma_start3A_17] : memref<32768x1024xi32, #tpu.memory_space<hbm>> -> memref<32x1024xi32, #tpu.memory_space<hbm>>
    tpu.enqueue_dma source(%dma_start3A_18 : memref<32x1024xi32, #tpu.memory_space<hbm>>) target(%arg5 : memref<32x1024xi32, #tpu.memory_space<vmem>>) target_semaphore(%arg9 : memref<!tpu.dma_semaphore, #tpu.memory_space<semaphore_mem>>)
    %parallel_loop3A = arith.constant 0 : i32
    %parallel_loop3A_19 = arith.constant 16384 : i32
    %parallel_loop3A_20 = arith.constant 16 : i32
    scf.for %parallel_loop3A_57 = %parallel_loop3A to %parallel_loop3A_19 step %parallel_loop3A_20  : i32 {
      %parallel_loop3A_58 = arith.index_cast %parallel_loop3A_57 : i32 to index
      %parallel_loop3A_59 = tpu.vector_load %arg6[%parallel_loop3A_58] {strides = array<i32>} : memref<16384xf32, #tpu.memory_space<vmem>>, vector<16xf32>,
      tpu.vector_store %arg6[%parallel_loop3A_58], %broadcast_in_dim3A_3 {strides = array<i32>} : memref<16384xf32, #tpu.memory_space<vmem>>, vector<16xf32>,
    } {sc.loop_unroll_factor = 8 : i64, sc.parallel_access}
    %scan3A = arith.constant 0 : i32
    %scan3A_21 = arith.constant 0 : i32
    %scan3A_22 = arith.constant 16 : i32
    %scan3A_23 = arith.addi %scan3A_21, %scan3A_22 : i32
    %scan3A_24 = arith.constant 1 : i32
    scf.for %scan3A_57 = %scan3A_21 to %scan3A_23 step %scan3A_24  : i32 {
      %mul3A_58 = arith.constant 2 : i32
      %mul3A_59 = arith.muli %mul3A_58, %scan3A_57 : i32
      %eq3A = arith.constant 15 : i32
      %eq3A_60 = arith.cmpi eq, %scan3A_57, %eq3A : i32
      %dma_wait3A = arith.constant 0 : i32
      %dma_wait3A_61 = arith.constant 0 : i32
      %dma_wait3A_62 = tpu.memref_slice %arg2[%dma_wait3A, %dma_wait3A_61] : memref<32768x1024xi32, #tpu.memory_space<hbm>> -> memref<32x1024xi32, #tpu.memory_space<hbm>>
      %dma_wait3A_63 = arith.constant 0 : i32
      %dma_wait3A_64 = arith.constant 0 : i32
      %dma_wait3A_65 = tpu.memref_slice %arg2[%dma_wait3A_63, %dma_wait3A_64] : memref<32768x1024xi32, #tpu.memory_space<hbm>> -> memref<32x1024xi32, #tpu.memory_space<hbm>>
      tpu.wait_dma2 semaphore(%arg8 : memref<!tpu.dma_semaphore, #tpu.memory_space<semaphore_mem>>) src(%dma_wait3A_65 : memref<32x1024xi32, #tpu.memory_space<hbm>>) dst(%arg4 : memref<32x1024xi32, #tpu.memory_space<vmem>>)
      %shift_right_arithmetic3A = arith.constant 3 : i32
      %shift_right_arithmetic3A_66 = arith.shrsi %mul3A_59, %shift_right_arithmetic3A : i32
      %mul3A_67 = arith.constant 4096 : i32
      %mul3A_68 = arith.muli %shift_right_arithmetic3A_66, %mul3A_67 : i32
      %add3A_69 = vector.broadcast %mul3A_68 : i32 to vector<16xi32>
      %add3A_70 = arith.addi %iota3A, %add3A_69 : vector<16xi32>
      %parallel_loop3A_71 = arith.constant 0 : i32
      %parallel_loop3A_72 = arith.constant 2048 : i32
      %parallel_loop3A_73 = arith.constant 1 : i32
      scf.for %parallel_loop3A_102 = %parallel_loop3A_71 to %parallel_loop3A_72 step %parallel_loop3A_73  : i32 {
        %parallel_loop3A_103 = arith.constant 6 : i32
        %parallel_loop3A_104 = arith.shrsi %parallel_loop3A_102, %parallel_loop3A_103 : i32
        %parallel_loop3A_105 = arith.constant 63 : i32
        %parallel_loop3A_106 = arith.andi %parallel_loop3A_102, %parallel_loop3A_105 : i32
        %parallel_loop3A_107 = arith.constant 4 : i32
        %parallel_loop3A_108 = arith.shli %parallel_loop3A_106, %parallel_loop3A_107 : i32
        %parallel_loop3A_109 = arith.index_cast %parallel_loop3A_104 : i32 to index
        %parallel_loop3A_110 = arith.index_cast %parallel_loop3A_108 : i32 to index
        %parallel_loop3A_111 = tpu.vector_load %arg4[%parallel_loop3A_109, %parallel_loop3A_110] {strides = array<i32>} : memref<32x1024xi32, #tpu.memory_space<vmem>>, vector<16xi32>,
        %parallel_loop3A_112 = arith.constant 4 : i32
        %parallel_loop3A_113 = vector.broadcast %parallel_loop3A_112 : i32 to vector<16xi32>
        %parallel_loop3A_114 = arith.shli %parallel_loop3A_111, %parallel_loop3A_113 : vector<16xi32>
        %parallel_loop3A_115 = arith.addi %parallel_loop3A_114, %add3A_70 : vector<16xi32>
        tpu.vector_store_idx %arg6[%parallel_loop3A_115], %broadcast_in_dim3A_1 {add = true} : memref<16384xf32, #tpu.memory_space<vmem>>[vector<16xi32>], vector<16xf32>,
      } {sc.loop_unroll_factor = 8 : i64, sc.parallel_access}
      %not3A = arith.constant true
      %not3A_74 = arith.xori %eq3A_60, %not3A : i1
      %convert_element_type3A = arith.extui %not3A_74 : i1 to i32
      %cond3A = arith.constant 0 : i32
      %cond3A_75 = arith.cmpi ne, %convert_element_type3A, %cond3A : i32
      scf.if %cond3A_75 {
        %add3A_102 = arith.constant 2 : i32
        %add3A_103 = arith.addi %mul3A_59, %add3A_102 : i32
        %mul3A_104 = arith.constant 32 : i32
        %mul3A_105 = arith.muli %add3A_103, %mul3A_104 : i32
        %add3A_106 = arith.addi %mul3A_7, %mul3A_105 : i32
        %dma_start3A_107 = arith.constant 0 : i32
        %dma_start3A_108 = tpu.memref_slice %arg2[%add3A_106, %dma_start3A_107] : memref<32768x1024xi32, #tpu.memory_space<hbm>> -> memref<32x1024xi32, #tpu.memory_space<hbm>>
        %dma_start3A_109 = arith.constant 0 : i32
        %dma_start3A_110 = tpu.memref_slice %arg2[%add3A_106, %dma_start3A_109] : memref<32768x1024xi32, #tpu.memory_space<hbm>> -> memref<32x1024xi32, #tpu.memory_space<hbm>>
        tpu.enqueue_dma source(%dma_start3A_110 : memref<32x1024xi32, #tpu.memory_space<hbm>>) target(%arg4 : memref<32x1024xi32, #tpu.memory_space<vmem>>) target_semaphore(%arg8 : memref<!tpu.dma_semaphore, #tpu.memory_space<semaphore_mem>>)
      } else {
      }
      %mul3A_76 = arith.constant 2 : i32
      %mul3A_77 = arith.muli %mul3A_76, %scan3A_57 : i32
      %add3A_78 = arith.constant 1 : i32
      %add3A_79 = arith.addi %mul3A_77, %add3A_78 : i32
      %eq3A_80 = arith.constant 15 : i32
      %eq3A_81 = arith.cmpi eq, %scan3A_57, %eq3A_80 : i32
      %dma_wait3A_82 = arith.constant 0 : i32
      %dma_wait3A_83 = arith.constant 0 : i32
      %dma_wait3A_84 = tpu.memref_slice %arg2[%dma_wait3A_82, %dma_wait3A_83] : memref<32768x1024xi32, #tpu.memory_space<hbm>> -> memref<32x1024xi32, #tpu.memory_space<hbm>>
      %dma_wait3A_85 = arith.constant 0 : i32
      %dma_wait3A_86 = arith.constant 0 : i32
      %dma_wait3A_87 = tpu.memref_slice %arg2[%dma_wait3A_85, %dma_wait3A_86] : memref<32768x1024xi32, #tpu.memory_space<hbm>> -> memref<32x1024xi32, #tpu.memory_space<hbm>>
      tpu.wait_dma2 semaphore(%arg9 : memref<!tpu.dma_semaphore, #tpu.memory_space<semaphore_mem>>) src(%dma_wait3A_87 : memref<32x1024xi32, #tpu.memory_space<hbm>>) dst(%arg5 : memref<32x1024xi32, #tpu.memory_space<vmem>>)
      %shift_right_arithmetic3A_88 = arith.constant 3 : i32
      %shift_right_arithmetic3A_89 = arith.shrsi %add3A_79, %shift_right_arithmetic3A_88 : i32
      %mul3A_90 = arith.constant 4096 : i32
      %mul3A_91 = arith.muli %shift_right_arithmetic3A_89, %mul3A_90 : i32
      %add3A_92 = vector.broadcast %mul3A_91 : i32 to vector<16xi32>
      %add3A_93 = arith.addi %iota3A, %add3A_92 : vector<16xi32>
      %parallel_loop3A_94 = arith.constant 0 : i32
      %parallel_loop3A_95 = arith.constant 2048 : i32
      %parallel_loop3A_96 = arith.constant 1 : i32
      scf.for %parallel_loop3A_102 = %parallel_loop3A_94 to %parallel_loop3A_95 step %parallel_loop3A_96  : i32 {
        %parallel_loop3A_103 = arith.constant 6 : i32
        %parallel_loop3A_104 = arith.shrsi %parallel_loop3A_102, %parallel_loop3A_103 : i32
        %parallel_loop3A_105 = arith.constant 63 : i32
        %parallel_loop3A_106 = arith.andi %parallel_loop3A_102, %parallel_loop3A_105 : i32
        %parallel_loop3A_107 = arith.constant 4 : i32
        %parallel_loop3A_108 = arith.shli %parallel_loop3A_106, %parallel_loop3A_107 : i32
        %parallel_loop3A_109 = arith.index_cast %parallel_loop3A_104 : i32 to index
        %parallel_loop3A_110 = arith.index_cast %parallel_loop3A_108 : i32 to index
        %parallel_loop3A_111 = tpu.vector_load %arg5[%parallel_loop3A_109, %parallel_loop3A_110] {strides = array<i32>} : memref<32x1024xi32, #tpu.memory_space<vmem>>, vector<16xi32>,
        %parallel_loop3A_112 = arith.constant 4 : i32
        %parallel_loop3A_113 = vector.broadcast %parallel_loop3A_112 : i32 to vector<16xi32>
        %parallel_loop3A_114 = arith.shli %parallel_loop3A_111, %parallel_loop3A_113 : vector<16xi32>
        %parallel_loop3A_115 = arith.addi %parallel_loop3A_114, %add3A_93 : vector<16xi32>
        tpu.vector_store_idx %arg6[%parallel_loop3A_115], %broadcast_in_dim3A_1 {add = true} : memref<16384xf32, #tpu.memory_space<vmem>>[vector<16xi32>], vector<16xf32>,
      } {sc.loop_unroll_factor = 8 : i64, sc.parallel_access}
      %not3A_97 = arith.constant true
      %not3A_98 = arith.xori %eq3A_81, %not3A_97 : i1
      %convert_element_type3A_99 = arith.extui %not3A_98 : i1 to i32
      %cond3A_100 = arith.constant 0 : i32
      %cond3A_101 = arith.cmpi ne, %convert_element_type3A_99, %cond3A_100 : i32
      scf.if %cond3A_101 {
        %add3A_102 = arith.constant 2 : i32
        %add3A_103 = arith.addi %add3A_79, %add3A_102 : i32
        %mul3A_104 = arith.constant 32 : i32
        %mul3A_105 = arith.muli %add3A_103, %mul3A_104 : i32
        %add3A_106 = arith.addi %mul3A_7, %mul3A_105 : i32
        %dma_start3A_107 = arith.constant 0 : i32
        %dma_start3A_108 = tpu.memref_slice %arg2[%add3A_106, %dma_start3A_107] : memref<32768x1024xi32, #tpu.memory_space<hbm>> -> memref<32x1024xi32, #tpu.memory_space<hbm>>
        %dma_start3A_109 = arith.constant 0 : i32
        %dma_start3A_110 = tpu.memref_slice %arg2[%add3A_106, %dma_start3A_109] : memref<32768x1024xi32, #tpu.memory_space<hbm>> -> memref<32x1024xi32, #tpu.memory_space<hbm>>
        tpu.enqueue_dma source(%dma_start3A_110 : memref<32x1024xi32, #tpu.memory_space<hbm>>) target(%arg5 : memref<32x1024xi32, #tpu.memory_space<vmem>>) target_semaphore(%arg9 : memref<!tpu.dma_semaphore, #tpu.memory_space<semaphore_mem>>)
      } else {
      }
    }
    %scan3A_25 = arith.constant 16 : i32
    %parallel_loop3A_26 = arith.constant 0 : i32
    %parallel_loop3A_27 = arith.constant 256 : i32
    %parallel_loop3A_28 = arith.constant 1 : i32
    %parallel_loop3A_29 = arith.constant 0.000000e+00 : f32
    %parallel_loop3A_30 = scf.for %parallel_loop3A_57 = %parallel_loop3A_26 to %parallel_loop3A_27 step %parallel_loop3A_28 iter_args(%parallel_loop3A_58 = %parallel_loop3A_29) -> (f32)  : i32 {
      %parallel_loop3A_59 = arith.constant 16 : i32
      %parallel_loop3A_60 = arith.muli %parallel_loop3A_57, %parallel_loop3A_59 : i32
      %parallel_loop3A_61 = arith.constant 0 : i32
      %parallel_loop3A_62 = arith.addi %parallel_loop3A_61, %parallel_loop3A_60 : i32
      %parallel_loop3A_63 = arith.index_cast %parallel_loop3A_62 : i32 to index
      %parallel_loop3A_64 = tpu.vector_load %arg6[%parallel_loop3A_63] {strides = array<i32>} : memref<16384xf32, #tpu.memory_space<vmem>>, vector<16xf32>,
      %parallel_loop3A_65 = arith.constant true
      %parallel_loop3A_66 = vector.broadcast %parallel_loop3A_65 : i1 to vector<16xi1>
      %parallel_loop3A_67 = tpu.scan <sum>, %parallel_loop3A_64 masked %parallel_loop3A_66 : vector<16xf32>, vector<16xi1> -> vector<16xf32>
      %parallel_loop3A_68 = vector.extract %parallel_loop3A_67[15] : f32 from vector<16xf32>
      %parallel_loop3A_69 = arith.maximumf %parallel_loop3A_58, %parallel_loop3A_68 : f32
      scf.yield %parallel_loop3A_69 : f32
    } {sc.loop_unroll_factor = 4 : i64, sc.parallel_access}
    %broadcast_in_dim3A_31 = vector.broadcast %parallel_loop3A_30 : f32 to vector<16xf32>
    %swap3A = arith.constant 0 : index
    %swap3A_32 = tpu.vector_load %arg7[%swap3A] {strides = array<i32>} : memref<64xf32, #tpu.memory_space<vmem>>, vector<16xf32>,
    tpu.vector_store %arg7[%swap3A], %broadcast_in_dim3A_31 {strides = array<i32>} : memref<64xf32, #tpu.memory_space<vmem>>, vector<16xf32>,
    %parallel_loop3A_33 = arith.constant 0 : i32
    %parallel_loop3A_34 = arith.constant 256 : i32
    %parallel_loop3A_35 = arith.constant 1 : i32
    %parallel_loop3A_36 = arith.constant 0.000000e+00 : f32
    %parallel_loop3A_37 = scf.for %parallel_loop3A_57 = %parallel_loop3A_33 to %parallel_loop3A_34 step %parallel_loop3A_35 iter_args(%parallel_loop3A_58 = %parallel_loop3A_36) -> (f32)  : i32 {
      %parallel_loop3A_59 = arith.constant 16 : i32
      %parallel_loop3A_60 = arith.muli %parallel_loop3A_57, %parallel_loop3A_59 : i32
      %parallel_loop3A_61 = arith.constant 4096 : i32
      %parallel_loop3A_62 = arith.addi %parallel_loop3A_61, %parallel_loop3A_60 : i32
      %parallel_loop3A_63 = arith.index_cast %parallel_loop3A_62 : i32 to index
      %parallel_loop3A_64 = tpu.vector_load %arg6[%parallel_loop3A_63] {strides = array<i32>} : memref<16384xf32, #tpu.memory_space<vmem>>, vector<16xf32>,
      %parallel_loop3A_65 = arith.constant true
      %parallel_loop3A_66 = vector.broadcast %parallel_loop3A_65 : i1 to vector<16xi1>
      %parallel_loop3A_67 = tpu.scan <sum>, %parallel_loop3A_64 masked %parallel_loop3A_66 : vector<16xf32>, vector<16xi1> -> vector<16xf32>
      %parallel_loop3A_68 = vector.extract %parallel_loop3A_67[15] : f32 from vector<16xf32>
      %parallel_loop3A_69 = arith.maximumf %parallel_loop3A_58, %parallel_loop3A_68 : f32
      scf.yield %parallel_loop3A_69 : f32
    } {sc.loop_unroll_factor = 4 : i64, sc.parallel_access}
    %broadcast_in_dim3A_38 = vector.broadcast %parallel_loop3A_37 : f32 to vector<16xf32>
    %swap3A_39 = arith.constant 16 : index
    %swap3A_40 = tpu.vector_load %arg7[%swap3A_39] {strides = array<i32>} : memref<64xf32, #tpu.memory_space<vmem>>, vector<16xf32>,
    tpu.vector_store %arg7[%swap3A_39], %broadcast_in_dim3A_38 {strides = array<i32>} : memref<64xf32, #tpu.memory_space<vmem>>, vector<16xf32>,
    %parallel_loop3A_41 = arith.constant 0 : i32
    %parallel_loop3A_42 = arith.constant 256 : i32
    %parallel_loop3A_43 = arith.constant 1 : i32
    %parallel_loop3A_44 = arith.constant 0.000000e+00 : f32
    %parallel_loop3A_45 = scf.for %parallel_loop3A_57 = %parallel_loop3A_41 to %parallel_loop3A_42 step %parallel_loop3A_43 iter_args(%parallel_loop3A_58 = %parallel_loop3A_44) -> (f32)  : i32 {
      %parallel_loop3A_59 = arith.constant 16 : i32
      %parallel_loop3A_60 = arith.muli %parallel_loop3A_57, %parallel_loop3A_59 : i32
      %parallel_loop3A_61 = arith.constant 8192 : i32
      %parallel_loop3A_62 = arith.addi %parallel_loop3A_61, %parallel_loop3A_60 : i32
      %parallel_loop3A_63 = arith.index_cast %parallel_loop3A_62 : i32 to index
      %parallel_loop3A_64 = tpu.vector_load %arg6[%parallel_loop3A_63] {strides = array<i32>} : memref<16384xf32, #tpu.memory_space<vmem>>, vector<16xf32>,
      %parallel_loop3A_65 = arith.constant true
      %parallel_loop3A_66 = vector.broadcast %parallel_loop3A_65 : i1 to vector<16xi1>
      %parallel_loop3A_67 = tpu.scan <sum>, %parallel_loop3A_64 masked %parallel_loop3A_66 : vector<16xf32>, vector<16xi1> -> vector<16xf32>
      %parallel_loop3A_68 = vector.extract %parallel_loop3A_67[15] : f32 from vector<16xf32>
      %parallel_loop3A_69 = arith.maximumf %parallel_loop3A_58, %parallel_loop3A_68 : f32
      scf.yield %parallel_loop3A_69 : f32
    } {sc.loop_unroll_factor = 4 : i64, sc.parallel_access}
    %broadcast_in_dim3A_46 = vector.broadcast %parallel_loop3A_45 : f32 to vector<16xf32>
    %swap3A_47 = arith.constant 32 : index
    %swap3A_48 = tpu.vector_load %arg7[%swap3A_47] {strides = array<i32>} : memref<64xf32, #tpu.memory_space<vmem>>, vector<16xf32>,
    tpu.vector_store %arg7[%swap3A_47], %broadcast_in_dim3A_46 {strides = array<i32>} : memref<64xf32, #tpu.memory_space<vmem>>, vector<16xf32>,
    %parallel_loop3A_49 = arith.constant 0 : i32
    %parallel_loop3A_50 = arith.constant 256 : i32
    %parallel_loop3A_51 = arith.constant 1 : i32
    %parallel_loop3A_52 = arith.constant 0.000000e+00 : f32
    %parallel_loop3A_53 = scf.for %parallel_loop3A_57 = %parallel_loop3A_49 to %parallel_loop3A_50 step %parallel_loop3A_51 iter_args(%parallel_loop3A_58 = %parallel_loop3A_52) -> (f32)  : i32 {
      %parallel_loop3A_59 = arith.constant 16 : i32
      %parallel_loop3A_60 = arith.muli %parallel_loop3A_57, %parallel_loop3A_59 : i32
      %parallel_loop3A_61 = arith.constant 12288 : i32
      %parallel_loop3A_62 = arith.addi %parallel_loop3A_61, %parallel_loop3A_60 : i32
      %parallel_loop3A_63 = arith.index_cast %parallel_loop3A_62 : i32 to index
      %parallel_loop3A_64 = tpu.vector_load %arg6[%parallel_loop3A_63] {strides = array<i32>} : memref<16384xf32, #tpu.memory_space<vmem>>, vector<16xf32>,
      %parallel_loop3A_65 = arith.constant true
      %parallel_loop3A_66 = vector.broadcast %parallel_loop3A_65 : i1 to vector<16xi1>
      %parallel_loop3A_67 = tpu.scan <sum>, %parallel_loop3A_64 masked %parallel_loop3A_66 : vector<16xf32>, vector<16xi1> -> vector<16xf32>
      %parallel_loop3A_68 = vector.extract %parallel_loop3A_67[15] : f32 from vector<16xf32>
      %parallel_loop3A_69 = arith.maximumf %parallel_loop3A_58, %parallel_loop3A_68 : f32
      scf.yield %parallel_loop3A_69 : f32
    } {sc.loop_unroll_factor = 4 : i64, sc.parallel_access}
    %broadcast_in_dim3A_54 = vector.broadcast %parallel_loop3A_53 : f32 to vector<16xf32>
    %swap3A_55 = arith.constant 48 : index
    %swap3A_56 = tpu.vector_load %arg7[%swap3A_55] {strides = array<i32>} : memref<64xf32, #tpu.memory_space<vmem>>, vector<16xf32>,
    tpu.vector_store %arg7[%swap3A_55], %broadcast_in_dim3A_54 {strides = array<i32>} : memref<64xf32, #tpu.memory_space<vmem>>, vector<16xf32>,
    "tpu.region"() ({
      %run_scoped3A = tpu.sem_alloc : memref<!tpu.dma_semaphore, #tpu.memory_space<semaphore_mem>>
      %dma_start3A_57 = arith.constant 0 : i32
      %dma_start3A_58 = tpu.memref_slice %arg3[%add3A, %dma_start3A_57] : memref<32x64xf32, #tpu.memory_space<hbm>> -> memref<1x64xf32, #tpu.memory_space<hbm>>
      %dma_start3A_59 = tpu.memref_squeeze %dma_start3A_58 : memref<1x64xf32, #tpu.memory_space<hbm>> -> memref<64xf32, #tpu.memory_space<hbm>>
      %dma_start3A_60 = arith.constant 0 : i32
      %dma_start3A_61 = tpu.memref_slice %arg3[%add3A, %dma_start3A_60] : memref<32x64xf32, #tpu.memory_space<hbm>> -> memref<1x64xf32, #tpu.memory_space<hbm>>
      %dma_start3A_62 = tpu.memref_squeeze %dma_start3A_61 : memref<1x64xf32, #tpu.memory_space<hbm>> -> memref<64xf32, #tpu.memory_space<hbm>>
      tpu.enqueue_dma source(%arg7 : memref<64xf32, #tpu.memory_space<vmem>>) target(%dma_start3A_62 : memref<64xf32, #tpu.memory_space<hbm>>) target_semaphore(%run_scoped3A : memref<!tpu.dma_semaphore, #tpu.memory_space<semaphore_mem>>)
      %dma_wait3A = arith.constant 0 : i32
      %dma_wait3A_63 = tpu.memref_slice %arg3[%add3A, %dma_wait3A] : memref<32x64xf32, #tpu.memory_space<hbm>> -> memref<1x64xf32, #tpu.memory_space<hbm>>
      %dma_wait3A_64 = tpu.memref_squeeze %dma_wait3A_63 : memref<1x64xf32, #tpu.memory_space<hbm>> -> memref<64xf32, #tpu.memory_space<hbm>>
      %dma_wait3A_65 = arith.constant 0 : i32
      %dma_wait3A_66 = tpu.memref_slice %arg3[%add3A, %dma_wait3A_65] : memref<32x64xf32, #tpu.memory_space<hbm>> -> memref<1x64xf32, #tpu.memory_space<hbm>>
      %dma_wait3A_67 = tpu.memref_squeeze %dma_wait3A_66 : memref<1x64xf32, #tpu.memory_space<hbm>> -> memref<64xf32, #tpu.memory_space<hbm>>
      tpu.wait_dma2 semaphore(%run_scoped3A : memref<!tpu.dma_semaphore, #tpu.memory_space<semaphore_mem>>) src(%arg7 : memref<64xf32, #tpu.memory_space<vmem>>) dst(%dma_wait3A_67 : memref<64xf32, #tpu.memory_space<hbm>>)
      tpu.yield
    }) : () -> ()
    return
  }
}

</mosaic_0001>

<sc_bundles>
// kernel: kernel.3.cloned.1.call-start
scs
__scs_entry_jumppad:
0x0: {  	(pc) =	sbr.rel $0x88, $3  }
0x1: {  	(tag) =	ssettag $0x0;
	lr =	simm.s32 $0x1  }
0x2: {  	[smem:$0x3FA0] =	sst lr;
	_ =	strace $0xD0000000  }
0x3: {  	_ = 	snop  }
0x4: {  	_ = 	snop  }
0x5: {  	_ = 	snop  }
0x6: {  	_ = 	snop  }
0x7: {  	_ = 	snop  }
__scs_overlays_trampoline_lowered:
0x8: {  	[smem:$0x3FAF] =	sst s0  }
0x9: {  	[smem:$0x3FB0] =	sst s1  }
0xa: {  	[smem:$0x3FB1] =	sst s2  }
0xb: {  	[smem:$0x3FB2] =	sst s3  }
0xc: {  	[smem:$0x3FB3] =	sst s4  }
0xd: {  	[smem:$0x3FB4] =	sst s5  }
0xe: {  	[smem:$0x3FB5] =	sst s6  }
0xf: {  	[smem:$0x3FB6] =	sst s7  }
0x10: {  	[smem:$0x3FB7] =	sst s8  }
0x11: {  	[smem:$0x3FB8] =	sst s9;
	s0 =	simm.s32 @!p0 $0x0  }
0x12: {  	s1 =	sld [smem:$0x3F9E];
	s0 =	simm.s32 @p0 $0x1  }
0x13: {  	[smem:$0x3FB9] =	sst s0;
	s0 =	simm.s32 @!p1 $0x0  }
0x14: {  	s2 =	sld [smem:$0x3F9D];
	s0 =	simm.s32 @p1 $0x1  }
0x15: {  	[smem:$0x3FBA] =	sst s0;
	s0 =	simm.s32 @!p2 $0x0  }
0x16: {  	s3 =	sld [smem:$0x3FDB];
	s0 =	simm.s32 @p2 $0x1  }
0x17: {  	s4 =	simm.s32 $0x1BF5;
	[smem:$0x3FBC] =	sst s0  }
0x18: {  	s0 =	sld [smem:$0x3F9F];
	_ =	swait.ge [sflag:s4], $0x0  }
0x19: {  	s7 =	sld [smem:$0x3FA0]  }
0x1a: {  	s8 =	sadd.s32 $0xFFFFE003, lr  }
0x1b: {  	s9 =	sadd.s32 $0xFFFFFEF7, lr;
	s5 =	simm.s32 $0xFFFFFFFF;
	p2 =	slt.u32 s8, $0xFFFFF086  }
0x1c: {  	p1 =	slt.u32 s9, $0xF7A;
	s5 =	simm.s32 @!p2 $0x0  }
0x1d: {  	s5 =	simm.s32 @p1 $0x1;
	p0 =	seq.s32 s7, s2  }
0x1e: {  	s7 =	smul.u32 @!p0 $0xF7A, s2;
	p2 =	seq.s32 @!p0 s5, $0x0  }
0x1f: {  	s9 =	smul.u32 $0xF7A, s1;
	s8 =	simm.s32 @!p0 $0x1BF5;
	p2 =	por !p2, p0  }
0x20: {  	[sflag:s8] =	ssyncset.s32 @!p0 $0xFFFFF086;
	s6 =	sadd.s32 @!p0 s3, s7;
	s7 =	simm.s32 @!p0 $0x108  }
0x21: {  	s3 =	sadd.s32 s3, s9;
	s6 =	sadd.s32 @!p0 $0x88, s6;
	s7 =	simm.s32 @p2 $0x1082  }
0x22: {  	[simem:s7], [sflag:s8] =	dma.local @!p0 [hbm:s6], $0xF7A  }
0x23: {  	s9 =	sor.u32 $0xD0000000, s2;
	s6 =	simm.s32 $0x108;
	_ =	swait.ge @!p0 [sflag:s8], $0x0  }
0x24: {  	s3 =	sadd.s32 $0x88, s3;
	s6 =	simm.s32 @!p1 $0x1082;
	[sflag:s4] =	ssyncset.s32 $0xFFFFF086  }
0x25: {  	[simem:s6], [sflag:s4] =	dma.local [hbm:s3], $0xF7A  }
0x26: {  	[smem:$0x3FA0] =	sst s1;
	(tag) =	ssettag s2;
	_ =	strace s9  }
0x27: {  	s1 =	sld [smem:$0x3FB0]  }
0x28: {  	s2 =	sld [smem:$0x3FB1]  }
0x29: {  	s4 =	sld [smem:$0x3FB3]  }
0x2a: {  	p0 =	seq.s32 s5, $0x0;
	s5 =	sld [smem:$0x3FB4]  }
0x2b: {  	s6 =	sld [smem:$0x3FB5]  }
0x2c: {  	s7 =	sld [smem:$0x3FB6]  }
0x2d: {  	s3 =	simm.s32 $0x108;
	s8 =	sld [smem:$0x3FB7]  }
0x2e: {  	s3 =	simm.s32 @!p0 $0x1082;
	s9 =	sld [smem:$0x3FB8]  }
0x2f: {  	lr =	sadd.s32 s0, s3;
	s0 =	sld [smem:$0x3FAF]  }
0x30: {  	s3 =	sld [smem:$0x3FB2]  }
0x31: {  	[smem:$0x3FBB] =	sst s10  }
0x32: {  	s10 =	sld [smem:$0x3FB9];
	_ =	sdelay $0x3  }
0x33: {  	p0 =	seq.s32 s10, $0x1;
	s10 =	sld [smem:$0x3FBB];
	_ =	sdelay $0x3  }
0x34: {  	[smem:$0x3FBB] =	sst s10  }
0x35: {  	s10 =	sld [smem:$0x3FBA];
	_ =	sdelay $0x3  }
0x36: {  	p1 =	seq.s32 s10, $0x1;
	s10 =	sld [smem:$0x3FBB];
	_ =	sdelay $0x3  }
0x37: {  	[smem:$0x3FBB] =	sst s10  }
0x38: {  	s10 =	sld [smem:$0x3FBC]  }
0x39: {  	_ = 	snop;
	(pc) =	sbr.ind lr, $3  }
0x3a: {  	_ = 	snop  }
0x3b: {  	_ = 	snop  }
0x3c: {  	p2 =	seq.s32 s10, $0x1;
	s10 =	sld [smem:$0x3FBB]  }
0x3d: {  	_ =	shalt  }
0x3e: {  	_ =	shalt  }
0x3f: {  	_ =	shalt  }
0x40: {  	_ =	shalt  }
0x41: {  	_ =	shalt  }
0x42: {  	_ =	shalt  }
0x43: {  	_ =	shalt  }
0x44: {  	_ =	shalt  }
0x45: {  	_ =	shalt  }
0x46: {  	_ =	shalt  }
0x47: {  	_ =	shalt  }
0x48: {  	_ =	shalt  }
0x49: {  	_ =	shalt  }
0x4a: {  	_ =	shalt  }
0x4b: {  	_ =	shalt  }
0x4c: {  	_ =	shalt  }
0x4d: {  	_ =	shalt  }
0x4e: {  	_ =	shalt  }
0x4f: {  	_ =	shalt  }
0x50: {  	_ =	shalt  }
0x51: {  	_ =	shalt  }
0x52: {  	_ =	shalt  }
0x53: {  	_ =	shalt  }
0x54: {  	_ =	shalt  }
0x55: {  	_ =	shalt  }
0x56: {  	_ =	shalt  }
0x57: {  	_ =	shalt  }
0x58: {  	_ =	shalt  }
0x59: {  	_ =	shalt  }
0x5a: {  	_ =	shalt  }
0x5b: {  	_ =	shalt  }
0x5c: {  	_ =	shalt  }
0x5d: {  	_ =	shalt  }
0x5e: {  	_ =	shalt  }
0x5f: {  	_ =	shalt  }
0x60: {  	_ =	shalt  }
0x61: {  	_ =	shalt  }
0x62: {  	_ =	shalt  }
0x63: {  	_ =	shalt  }
0x64: {  	_ =	shalt  }
0x65: {  	_ =	shalt  }
0x66: {  	_ =	shalt  }
0x67: {  	_ =	shalt  }
0x68: {  	_ =	shalt  }
0x69: {  	_ =	shalt  }
0x6a: {  	_ =	shalt  }
0x6b: {  	_ =	shalt  }
0x6c: {  	_ =	shalt  }
0x6d: {  	_ =	shalt  }
0x6e: {  	_ =	shalt  }
0x6f: {  	_ =	shalt  }
0x70: {  	_ =	shalt  }
0x71: {  	_ =	shalt  }
0x72: {  	_ =	shalt  }
0x73: {  	_ =	shalt  }
0x74: {  	_ =	shalt  }
0x75: {  	_ =	shalt  }
0x76: {  	_ =	shalt  }
0x77: {  	_ =	shalt  }
0x78: {  	_ =	shalt  }
0x79: {  	_ =	shalt  }
0x7a: {  	_ =	shalt  }
0x7b: {  	_ =	shalt  }
0x7c: {  	_ =	shalt  }
0x7d: {  	_ =	shalt  }
0x7e: {  	_ =	shalt  }
0x7f: {  	_ =	shalt  }
0x80: {  	_ =	shalt  }
0x81: {  	_ =	shalt  }
0x82: {  	_ =	shalt  }
0x83: {  	_ =	shalt  }
0x84: {  	_ =	shalt  }
0x85: {  	_ =	shalt  }
0x86: {  	_ =	shalt  }
0x87: {  	_ =	shalt  }
.Lfunc_end0:
.L_simem_size_0:
called_computation_lowered:
.L_overlay_start_0:
0x88: {  	s2 =	sld [smem:$0x3FD9]  }
0x89: {  	s3 =	sld [smem:$0x3FFE];
	_ =	sdelay $0x1  }
0x8a: {  	s1 =	srdreg.scid  }
0x8b: {  	s0 =	sand.u32 $0x1, s1  }
0x8c: {  	s17 =	sshll.u32 s0, $0xA;
	s2 =	sadd.s32 s3, s2  }
0x8d: {  	s2 =	sadd.s32 s2, s17  }
0x8e: {  	[smem:$0x3FC7] =	sst s2  }
0x8f: {  	_ = 	snop  }
0x90: {  	s2 =	sld [smem:$0x3FC9];
	(tm) =	ssettm $0x1  }
0x91: {  	s18 =	sld [smem:$0x3FFB];
	_ =	sdelay $0x3  }
0x92: {  	_ =	strace s18  }
0x93: {  	s3 =	sld [smem:$0x3FFC];
	_ =	sdelay $0x3  }
0x94: {  	_ =	strace s3  }
0x95: {  	s3 =	sld [smem:$0x3FFD];
	_ =	sdelay $0x3  }
0x96: {  	_ =	strace s3  }
0x97: {  	_ =	strace $0x8FFFFFFF  }
0x98: {  	s19 =	sld [smem:$0x3FDB];
	_ =	sdelay $0x1  }
0x99: {  	s4 =	simm.s32 $_scs_section_size  }
0x9a: {  	s5 =	simm.s32 $_size__tile_overlayer_lowered;
	s6 =	simm.s32 $_tile_overlayer_lowered  }
0x9b: {  	s22 =	simm.s32 $0x1BFF;
	s21 =	sshll.u32 s6, $0x1;
	s3 =	sadd.s32 s4, s19  }
0x9c: {  	s7 =	simm.s32 $0x0;
	s20 =	sshll.u32 s5, $0x1;
	s5 =	sadd.s32 s21, s3  }
0x9d: {  	[timem:s7], [sflag:s22] =	dma.local [hbm:s5], s20  }
0x9e: {  	_ =	swait.ge [sflag:s22], s20  }
0x9f: {  	s4 =	ssub.s32 $0x0, s20;
	[sflag:s22] =	ssyncset.done $0x0  }
0xa0: {  	[sflag:s22] =	ssyncadd.s32 s4;
	_ =	sdelay $0x1  }
0xa1: {  	s23 =	simm.s32 $0x1B8B  }
0xa2: {  	_ =	swait.ge [sflag:s23], $0x1  }
0xa3: {  	[sflag:s23] =	ssyncset.done $0x0  }
0xa4: {  	s25 =	simm.s32 $0x1B8E;
	s24 =	sld [smem:$0x3FFE];
	[sflag:s23] =	ssyncadd.s32 $0xFFFFFFFF  }
0xa5: {  	s26 =	simm.s32 $execute0_lowered;
	[smem:$0x3FD2] =	sst s25  }
0xa6: {  	s5 =	sshll.u32 s26, $0x1;
	_ =	strace $0x80000046;
	[dreg:$0x1] =	wrdreg $0xFFFFFFFF  }
0xa7: {  	s28 =	simm.s32 $_size_execute0_lowered;
	s3 =	sadd.s32 s3, s5;
	[dreg:$0x0] =	wrdreg $0x0  }
0xa8: {  	s5 =	sshll.u32 s28, $0x1;
	[dreg:$0x2] =	wrdreg s3  }
0xa9: {  	[dreg:$0x3] =	wrdreg s5  }
0xaa: {  	[dreg:$0x4] =	wrdreg $0xC0  }
0xab: {  	_ =	task [dreg:s7], $0x5FFFF  }
0xac: {  	[dreg:$0x1] =	wrdreg $0xFFFFFFFF  }
0xad: {  	[dreg:$0x0] =	wrdreg $0x60  }
0xae: {  	[dreg:$0x2] =	wrdreg s2  }
0xaf: {  	[dreg:$0x3] =	wrdreg s24  }
0xb0: {  	[dreg:$0x4] =	wrdreg $0x9  }
0xb1: {  	_ =	task.clear_ibuf [dreg:s7], $0x5FFFF;
	_ =	strace $0x90000046  }
0xb2: {  	s29 =	simm.s32 $0x9;
	_ =	strace $0x80000048  }
0xb3: {  	_ =	swait.ge [sflag:s29], $0x1  }
0xb4: {  	[sflag:s29] =	ssyncadd.s32 $0xFFFFFFFF  }
0xb5: {  	_ =	strace $0x90000048  }
0xb6: {  	_ =	sfence  }
0xb7: {  	s30 =	sld [smem:$0x0];
	_ =	sdelay $0x2  }
0xb8: {  	s31 =	sshll.u32 s1, $0xD;
	s1 =	sshrl.u32 s1, $0x2  }
0xb9: {  	s3 =	sand.u32 $0x4000, s31;
	s1 =	sadd.s32 s1, s30  }
0xba: {  	s0 =	sor.u32 s3, s0;
	s1 =	sshll.u32 s1, $0x11  }
0xbb: {  	s0 =	sor.u32 s1, s0  }
0xbc: {  	s0 =	sadd.s32 $0x8F2B, s0  }
0xbd: {  	[sflag:s0] =	ssyncadd.remote.s32 $0x1  }
0xbe: {  	_ =	sfence.sel $0xFFFF  }
0xbf: {  	[dreg:$0x0] =	wrdreg $0xFFFFFFFF;
	(pc) =	sbr.abs _section_cstart, $3  }
0xc0: {  	[dreg:$0x1] =	wrdreg $0xFFFFFFFF  }
0xc1: {  	_ =	task.clear_ibuf [dreg:s7], $0x2FFFF;
	_ =	strace $0x9FFFFFFF  }
0xc2: {  	(tm) =	ssettm $0x7FFFFFFF  }
0xc3: {  	_ =	shalt  }
tec
execute0_lowered:
.L_overlay_start_1:
0x0: {  	(tag) =	ssettag $0x1  }
0x1: {  	s2 =	rddreg [dreg:$0x0]  }
0x2: {  	s1 =	srdreg.scid;
	s0 =	stileid.u32  }
0x3: {  	s8 =	rddreg [dreg:$0x1];
	s3 =	simm.s32 $0x0;
	s11 =	simm.s32 $0x1  }
0x4: {  	s12 =	simm.s32 $0x10000;
	s13 =	simm.s32 $0x2;
	s14 =	simm.s32 $0x14000  }
0x5: {  	s15 =	simm.s32 $0x3;
	s4 =	sand.u32 $0x1, s1;
	s1 =	rddreg [dreg:$0x2]  }
0x6: {  	s16 =	simm.s32 $0x0;
	s5 =	sshll.u32 s0, $0x1;
	[smem:$0x7FF] =	sst s3  }
0x7: {  	s9 =	sor.u32 s4, s5;
	s30 =	ssub.s32 $0x2, s4;
	_ =	strace $0x80000047  }
0x8: {  	s31 =	sshll.u32 s9, $0x11;
	s6 =	sshrl.u32 s30, $0x1;
	s7 =	sshll.u32 s9, $0xA  }
0x9: {  	s9 =	sshll.u32 s9, $0x4;
	s4 =	sadd.s32 s2, s31;
	s10 =	ssub.s32 s30, s6  }
0xa: {  	s6 =	sor.u32 $0x40, s7;
	s7 =	sor.u32 $0x60, s7;
	s8 =	sadd.s32 s8, s9  }
0xb: {  	v0 =	vimm.f32 $0.0e+00;
	v1 =	vlaneseq.u32;
	v2 =	vimm.f32 $1.000000000e+00;
	s5 =	sadd.s32 $0x1000, s4;
	s9 =	smax.u32 s10, $0x1;
	s10 =	simm.s32 $0x8000  }
.LBB2_1:
0xc: {  	[tilespmem:s3], [sflag:$0x1] =	stream.linear.gather [hbm4b:s4+s3], $0x8000, $0x38;
	[tilespmem:$0x14080] =	vst v63  }
0xd: {  	s17 =	simm.s32 $0x10040  }
0xe: {  	[tilespmem:s10], [sflag:$0x2] =	stream.linear.gather [hbm4b:s5+s3], $0x8000, $0x38;
	[tilespmem:$0x14080] =	vst v63  }
0xf: {  	[tilespmem:s17+$0xFFFFFFC0] =	vst v0  }
0x10: {  	[tilespmem:s17+$0x30] =	vst v0  }
0x11: {  	[tilespmem:s17+$0x20] =	vst v0  }
0x12: {  	[tilespmem:s17+$0x10] =	vst v0  }
0x13: {  	[tilespmem:s17+$0x0] =	vst v0  }
0x14: {  	[tilespmem:s17+$0xFFFFFFF0] =	vst v0  }
0x15: {  	s18 =	simm.s32 $0x0;
	[tilespmem:s17+$0xFFFFFFE0] =	vst v0  }
.LBB2_2:
0x16: {  	s18 =	sadd.s32 $0x80, s18;
	[tilespmem:s17+$0xFFFFFFD0] =	vst v0;
	s17 =	sadd.s32 $0x80, s17  }
0x17: {  	[tilespmem:s17+$0xFFFFFFC0] =	vst v0;
	p0 =	slt.u32 s18, $0x3F80  }
0x18: {  	[tilespmem:s17+$0x30] =	vst v0  }
.Ltmp0:
0x19: {  	[tilespmem:s17+$0x20] =	vst v0;
	(pc) =	sbr.rel @p0 .LBB2_2-.Ltmp0, $4  }
0x1a: {  	[tilespmem:s17+$0x10] =	vst v0  }
0x1b: {  	[tilespmem:s17+$0x0] =	vst v0  }
0x1c: {  	[tilespmem:s17+$0xFFFFFFF0] =	vst v0  }
0x1d: {  	[tilespmem:s17+$0xFFFFFFE0] =	vst v0  }
0x1e: {  	[tilespmem:s17+$0xFFFFFFD0] =	vst v0;
	s17 =	simm.s32 $0x0;
	s18 =	simm.s32 $0x0  }
.LBB2_4:
0x1f: {  	_ =	swait.ge [sflag:s11], $0x8000;
	s19 =	simm.s32 $0x0  }
0x20: {  	s20 =	sand.u32 $0x1C00, s17;
	s21 =	simm.s32 $0x0;
	s19 =	sand.u32 $0x6000, s19  }
0x21: {  	[sflag:s11] =	ssyncset.done $0x0;
	s21 =	sand.u32 $0x380, s21;
	s19 =	sor.u32 s20, s19  }
0x22: {  	[sflag:s11] =	ssyncadd.s32 $0xFFFF8000;
	s20 =	sor.u32 s21, s19  }
0x23: {  	v4 =	vld [tilespmem:s20+$0x70]  }
0x24: {  	v5 =	vld [tilespmem:s20+$0x0]  }
0x25: {  	v6 =	vld [tilespmem:s20+$0x10]  }
0x26: {  	v9 =	vld [tilespmem:s20+$0x20]  }
0x27: {  	s31 =	sshll.u32 s18, $0xA  }
0x28: {  	s19 =	sand.u32 $0x3000, s31;
	v11 =	vld [tilespmem:s20+$0x30]  }
0x29: {  	v12 =	vld [tilespmem:s20+$0x40];
	v3 =	vor.u32 s19, v1;
	v4 =	vshll.u32 v4, $0x4  }
0x2a: {  	v10 =	vld [tilespmem:s20+$0x50];
	v5 =	vshll.u32 v5, $0x4;
	v8 =	vadd.s32 v3, v4  }
0x2b: {  	v7 =	vadd.s32 v3, v5;
	v4 =	vshll.u32 v6, $0x4;
	v5 =	vshll.u32 v9, $0x4;
	v9 =	vld [tilespmem:s20+$0x60]  }
0x2c: {  	v4 =	vadd.s32 v3, v4  }
0x2d: {  	v6 =	vshll.u32 v11, $0x4;
	v5 =	vadd.s32 v3, v5  }
0x2e: {  	s19 =	simm.s32 $0x0;
	v11 =	vshll.u32 v12, $0x4;
	s20 =	simm.s32 $0x0;
	v6 =	vadd.s32 v3, v6  }
.LBB2_5:
0x2f: {  	s19 =	sadd.s32 $0x8, s19;
	v11 =	vadd.s32 v3, v11;
	v10 =	vshll.u32 v10, $0x4;
	[tilespmem:v8+s12+$0x0] =	vst.idx.add.f32.msk $0xffff, v2  }
0x30: {  	s20 =	sadd.s32 $0x400, s20;
	s21 =	sshll.u32 s19, $0x4;
	p0 =	slt.u32 s19, $0x7F8;
	[tilespmem:v7+s12+$0x0] =	vst.idx.add.f32.msk $0xffff, v2;
	v12 =	vadd.s32 v3, v10;
	v7 =	vshll.u32 v9, $0x4  }
0x31: {  	s22 =	sand.u32 $0x1C00, s20;
	s23 =	sshll.u32 s19, $0x1;
	s21 =	sand.u32 $0x6000, s21;
	[tilespmem:v4+s12+$0x0] =	vst.idx.add.f32.msk $0xffff, v2;
	v13 =	vadd.s32 v3, v7  }
0x32: {  	s23 =	sand.u32 $0x380, s23;
	s21 =	sor.u32 s22, s21;
	[tilespmem:v5+s12+$0x0] =	vst.idx.add.f32.msk $0xffff, v2  }
0x33: {  	s21 =	sor.u32 s23, s21;
	[tilespmem:v6+s12+$0x0] =	vst.idx.add.f32.msk $0xffff, v2  }
0x34: {  	v4 =	vld [tilespmem:s21+$0x70]  }
0x35: {  	v5 =	vld [tilespmem:s21+$0x0]  }
0x36: {  	v6 =	vld [tilespmem:s21+$0x10]  }
0x37: {  	v14 =	vld [tilespmem:s21+$0x20]  }
0x38: {  	v15 =	vld [tilespmem:s21+$0x30]  }
0x39: {  	v16 =	vld [tilespmem:s21+$0x40];
	v4 =	vshll.u32 v4, $0x4  }
.Ltmp1:
0x3a: {  	v5 =	vshll.u32 v5, $0x4;
	v10 =	vld [tilespmem:s21+$0x50];
	v8 =	vadd.s32 v3, v4;
	(pc) =	sbr.rel @p0 .LBB2_5-.Ltmp1, $4  }
0x3b: {  	v7 =	vadd.s32 v3, v5;
	v4 =	vshll.u32 v6, $0x4;
	v9 =	vld [tilespmem:s21+$0x60]  }
0x3c: {  	v4 =	vadd.s32 v3, v4;
	v5 =	vshll.u32 v14, $0x4;
	[tilespmem:v11+s12+$0x0] =	vst.idx.add.f32.msk $0xffff, v2  }
0x3d: {  	v5 =	vadd.s32 v3, v5;
	v6 =	vshll.u32 v15, $0x4;
	[tilespmem:v12+s12+$0x0] =	vst.idx.add.f32.msk $0xffff, v2  }
0x3e: {  	v6 =	vadd.s32 v3, v6;
	v11 =	vshll.u32 v16, $0x4;
	[tilespmem:v13+s12+$0x0] =	vst.idx.add.f32.msk $0xffff, v2  }
0x3f: {  	_ =	sdelay $0x3  }
0x40: {  	v11 =	vadd.s32 v3, v11;
	v10 =	vshll.u32 v10, $0x4;
	[tilespmem:v8+s12+$0x0] =	vst.idx.add.f32.msk $0xffff, v2  }
0x41: {  	[tilespmem:v7+s12+$0x0] =	vst.idx.add.f32.msk $0xffff, v2;
	v7 =	vadd.s32 v3, v10;
	v8 =	vshll.u32 v9, $0x4  }
0x42: {  	[tilespmem:v4+s12+$0x0] =	vst.idx.add.f32.msk $0xffff, v2;
	v4 =	vadd.s32 v3, v8  }
0x43: {  	[tilespmem:v5+s12+$0x0] =	vst.idx.add.f32.msk $0xffff, v2  }
0x44: {  	[tilespmem:v6+s12+$0x0] =	vst.idx.add.f32.msk $0xffff, v2;
	s19 =	sshll.u32 s18, $0x6;
	p0 =	seq.s32 s18, $0xF  }
0x45: {  	s20 =	sadd.s32 @!p0 s19, s6;
	[tilespmem:v11+s12+$0x0] =	vst.idx.add.f32.msk $0xffff, v2  }
0x46: {  	s20 =	sshll.u32 @!p0 s20, $0x7;
	[tilespmem:v7+s12+$0x0] =	vst.idx.add.f32.msk $0xffff, v2  }
0x47: {  	s21 =	simm.s32 @!p0 $0x0;
	s20 =	sadd.s32 @!p0 s2, s20;
	[tilespmem:v4+s12+$0x0] =	vst.idx.add.f32.msk $0xffff, v2  }
0x48: {  	[tilespmem:s21], [sflag:$0x1] =	stream.linear.gather @!p0 [hbm4b:s20+s21], $0x8000, $0x38;
	[tilespmem:$0x14080] =	vst v63  }
0x49: {  	s31 =	simm.s32 $0x0;
	s23 =	simm.s32 $0x0;
	s20 =	simm.s32 $0x0  }
0x4a: {  	s21 =	sand.u32 $0x6000, s31;
	_ =	swait.ge [sflag:s13], $0x8000;
	s22 =	sand.u32 $0x1C00, s20  }
0x4b: {  	s23 =	sand.u32 $0x380, s23;
	[sflag:s13] =	ssyncset.done $0x0;
	s21 =	sor.u32 s22, s21  }
0x4c: {  	[sflag:s13] =	ssyncadd.s32 $0xFFFF8000;
	s22 =	sor.u32 s23, s21  }
0x4d: {  	v4 =	vld [tilespmem:s22+$0x8070]  }
0x4e: {  	v5 =	vld [tilespmem:s22+$0x8000]  }
0x4f: {  	v6 =	vld [tilespmem:s22+$0x8010]  }
0x50: {  	v9 =	vld [tilespmem:s22+$0x8020];
	_ =	sdelay $0x1  }
0x51: {  	v11 =	vld [tilespmem:s22+$0x8030]  }
0x52: {  	v12 =	vld [tilespmem:s22+$0x8040];
	v4 =	vshll.u32 v4, $0x4  }
0x53: {  	v10 =	vld [tilespmem:s22+$0x8050];
	v5 =	vshll.u32 v5, $0x4;
	v8 =	vadd.s32 v3, v4  }
0x54: {  	v7 =	vadd.s32 v3, v5;
	v4 =	vshll.u32 v6, $0x4;
	v5 =	vshll.u32 v9, $0x4;
	v9 =	vld [tilespmem:s22+$0x8060]  }
0x55: {  	v4 =	vadd.s32 v3, v4  }
0x56: {  	v6 =	vshll.u32 v11, $0x4;
	v5 =	vadd.s32 v3, v5  }
0x57: {  	s21 =	simm.s32 $0x0;
	v11 =	vshll.u32 v12, $0x4;
	v6 =	vadd.s32 v3, v6  }
.LBB2_7:
0x58: {  	s21 =	sadd.s32 $0x8, s21;
	v11 =	vadd.s32 v3, v11;
	v10 =	vshll.u32 v10, $0x4;
	[tilespmem:v8+s12+$0x0] =	vst.idx.add.f32.msk $0xffff, v2  }
0x59: {  	s20 =	sadd.s32 $0x400, s20;
	s22 =	sshll.u32 s21, $0x4;
	p1 =	slt.u32 s21, $0x7F8;
	[tilespmem:v7+s12+$0x0] =	vst.idx.add.f32.msk $0xffff, v2;
	v12 =	vadd.s32 v3, v10;
	v7 =	vshll.u32 v9, $0x4  }
0x5a: {  	s23 =	sand.u32 $0x1C00, s20;
	s24 =	sshll.u32 s21, $0x1;
	s22 =	sand.u32 $0x6000, s22;
	[tilespmem:v4+s12+$0x0] =	vst.idx.add.f32.msk $0xffff, v2;
	v13 =	vadd.s32 v3, v7  }
0x5b: {  	s24 =	sand.u32 $0x380, s24;
	s22 =	sor.u32 s23, s22;
	[tilespmem:v5+s12+$0x0] =	vst.idx.add.f32.msk $0xffff, v2  }
0x5c: {  	s22 =	sor.u32 s24, s22;
	[tilespmem:v6+s12+$0x0] =	vst.idx.add.f32.msk $0xffff, v2  }
0x5d: {  	v4 =	vld [tilespmem:s22+$0x8070]  }
0x5e: {  	v5 =	vld [tilespmem:s22+$0x8000]  }
0x5f: {  	v6 =	vld [tilespmem:s22+$0x8010]  }
0x60: {  	v14 =	vld [tilespmem:s22+$0x8020]  }
0x61: {  	v15 =	vld [tilespmem:s22+$0x8030]  }
0x62: {  	v16 =	vld [tilespmem:s22+$0x8040];
	v4 =	vshll.u32 v4, $0x4  }
.Ltmp2:
0x63: {  	v5 =	vshll.u32 v5, $0x4;
	v10 =	vld [tilespmem:s22+$0x8050];
	v8 =	vadd.s32 v3, v4;
	(pc) =	sbr.rel @p1 .LBB2_7-.Ltmp2, $4  }
0x64: {  	v7 =	vadd.s32 v3, v5;
	v4 =	vshll.u32 v6, $0x4;
	v9 =	vld [tilespmem:s22+$0x8060]  }
0x65: {  	v4 =	vadd.s32 v3, v4;
	v5 =	vshll.u32 v14, $0x4;
	[tilespmem:v11+s12+$0x0] =	vst.idx.add.f32.msk $0xffff, v2  }
0x66: {  	v5 =	vadd.s32 v3, v5;
	v6 =	vshll.u32 v15, $0x4;
	[tilespmem:v12+s12+$0x0] =	vst.idx.add.f32.msk $0xffff, v2  }
0x67: {  	v6 =	vadd.s32 v3, v6;
	v11 =	vshll.u32 v16, $0x4;
	[tilespmem:v13+s12+$0x0] =	vst.idx.add.f32.msk $0xffff, v2  }
0x68: {  	_ =	sdelay $0x3  }
0x69: {  	v11 =	vadd.s32 v3, v11;
	v10 =	vshll.u32 v10, $0x4;
	[tilespmem:v8+s12+$0x0] =	vst.idx.add.f32.msk $0xffff, v2  }
0x6a: {  	[tilespmem:v7+s12+$0x0] =	vst.idx.add.f32.msk $0xffff, v2;
	v62 =	vadd.s32 v3, v10;
	v63 =	vshll.u32 v9, $0x4  }
0x6b: {  	[tilespmem:v4+s12+$0x0] =	vst.idx.add.f32.msk $0xffff, v2;
	v3 =	vadd.s32 v3, v63  }
.Ltmp3:
0x6c: {  	[tilespmem:v5+s12+$0x0] =	vst.idx.add.f32.msk $0xffff, v2;
	(pc) =	sbr.rel @p0 .LBB2_9-.Ltmp3, $4  }
0x6d: {  	[tilespmem:v6+s12+$0x0] =	vst.idx.add.f32.msk $0xffff, v2  }
0x6e: {  	[tilespmem:v11+s12+$0x0] =	vst.idx.add.f32.msk $0xffff, v2  }
0x6f: {  	[tilespmem:v62+s12+$0x0] =	vst.idx.add.f32.msk $0xffff, v2  }
0x70: {  	[tilespmem:v3+s12+$0x0] =	vst.idx.add.f32.msk $0xffff, v2  }
.Ltmp4:
0x71: {  	(pc) =	sbr.rel .LBB2_4-.Ltmp4, $4  }
0x72: {  	s19 =	sadd.s32 s19, s7  }
0x73: {  	s19 =	sshll.u32 s19, $0x7  }
0x74: {  	s18 =	sadd.s32 $0x1, s18;
	s19 =	sadd.s32 s2, s19  }
0x75: {  	[tilespmem:s10], [sflag:$0x2] =	stream.linear.gather [hbm4b:s19+s3], $0x8000, $0x38;
	[tilespmem:$0x14080] =	vst v63  }
.LBB2_9:
0x76: {  	s18 =	simm.s32 $0x10020  }
0x77: {  	v3 =	vld [tilespmem:s18+$0x0]  }
0x78: {  	v4 =	vld [tilespmem:s18+$0xFFFFFFF0]  }
0x79: {  	v5 =	vld [tilespmem:s18+$0xFFFFFFE0];
	_ =	sdelay $0x2  }
0x7a: {  	v6 =	vld [tilespmem:s18+$0x10];
	(xrf2) =	vadd.scan.msk.f32 $0xffff, v3  }
0x7b: {  	(xrf2) =	vadd.scan.msk.f32 $0xffff, v4  }
0x7c: {  	s31 =	simm.s32 $0x10060;
	(xrf2) =	vadd.scan.msk.f32 $0xffff, v5  }
0x7d: {  	v7 =	vld [tilespmem:s31+$0x0]  }
0x7e: {  	v3 =	vld [tilespmem:s31+$0xFFFFFFF0]  }
0x7f: {  	v4 =	vld [tilespmem:s31+$0xFFFFFFE0];
	(xrf2) =	vadd.scan.msk.f32 $0xffff, v6;
	_ =	sdelay $0x2  }
0x80: {  	(xrf2) =	vadd.scan.msk.f32 $0xffff, v7  }
0x81: {  	(xrf2) =	vadd.scan.msk.f32 $0xffff, v3  }
0x82: {  	(xrf2) =	vadd.scan.msk.f32 $0xffff, v4;
	v4, _, _ =	vpop (xrf2)  }
0x83: {  	v3, _, _ =	vpop (xrf2)  }
0x84: {  	v5 =	vld [tilespmem:s31+$0x10];
	v7, _, _ =	vpop (xrf2)  }
0x85: {  	(v2sf) =	vpush v7, $0xF  }
0x86: {  	s19 =	simm.s32 $0x100A0;
	(v2sf) =	vpush v3, $0xF  }
0x87: {  	v6 =	vld [tilespmem:s19+$0x0];
	v7, _, _ =	vpop (xrf2);
	(v2sf) =	vpush v4, $0xF  }
0x88: {  	(v2sf) =	vpush v7, $0xF  }
0x89: {  	(xrf2) =	vadd.scan.msk.f32 $0xffff, v5  }
0x8a: {  	v8 =	vld [tilespmem:s19+$0xFFFFFFF0]  }
0x8b: {  	v3, _, _ =	vpop (xrf2)  }
0x8c: {  	(xrf2) =	vadd.scan.msk.f32 $0xffff, v6;
	v5, _, _ =	vpop (xrf2)  }
0x8d: {  	v9 =	vld [tilespmem:s19+$0xFFFFFFE0];
	v4, _, _ =	vpop (xrf2)  }
0x8e: {  	(v2sf) =	vpush v4, $0xF  }
0x8f: {  	(xrf2) =	vadd.scan.msk.f32 $0xffff, v8;
	(v2sf) =	vpush v5, $0xF  }
0x90: {  	v4 =	vld [tilespmem:s19+$0x10];
	_ =	sdelay $0x1  }
0x91: {  	s17 =	simm.f32 $0.0e+00;
	s18 =	simm.s32 $0x8;
	(xrf2) =	vadd.scan.msk.f32 $0xffff, v9;
	s19 =	simm.s32 $0x100E0  }
.LBB2_10:
0x92: {  	v5 =	vld [tilespmem:s19+$0x0];
	(v2sf) =	vpush v3, $0xF;
	v3, _, _ =	vpop (xrf2)  }
0x93: {  	(v2sf) =	vpush v3, $0xF;
	s20 =	spop (v2sf)  }
0x94: {  	(xrf2) =	vadd.scan.msk.f32 $0xffff, v4;
	s17 =	smax.f32 s17, s20;
	s20 =	spop (v2sf)  }
0x95: {  	v4 =	vld [tilespmem:s19+$0xFFFFFFF0];
	v3, _, _ =	vpop (xrf2);
	s17 =	smax.f32 s17, s20;
	s20 =	spop (v2sf)  }
0x96: {  	s17 =	smax.f32 s17, s20;
	s20 =	spop (v2sf)  }
0x97: {  	s18 =	sadd.s32 $0x4, s18;
	(xrf2) =	vadd.scan.msk.f32 $0xffff, v5;
	s17 =	smax.f32 s17, s20  }
0x98: {  	p0 =	slt.u32 s18, $0xFC;
	v5 =	vld [tilespmem:s19+$0xFFFFFFE0];
	v6, _, _ =	vpop (xrf2)  }
.Ltmp5:
0x99: {  	(pc) =	sbr.rel @p0 .LBB2_10-.Ltmp5, $4  }
0x9a: {  	(xrf2) =	vadd.scan.msk.f32 $0xffff, v4  }
0x9b: {  	v4 =	vld [tilespmem:s19+$0x10];
	v7, _, _ =	vpop (xrf2)  }
0x9c: {  	(v2sf) =	vpush v7, $0xF  }
0x9d: {  	s19 =	sadd.s32 $0x40, s19;
	(xrf2) =	vadd.scan.msk.f32 $0xffff, v5;
	(v2sf) =	vpush v6, $0xF  }
0x9e: {  	_ =	sdelay $0x1  }
0x9f: {  	(xrf2) =	vadd.scan.msk.f32 $0xffff, v4;
	_ =	sdelay $0x3  }
0xa0: {  	v4, _, _ =	vpop (xrf2)  }
0xa1: {  	v5, _, _ =	vpop (xrf2)  }
0xa2: {  	(v2sf) =	vpush v3, $0xF;
	v3, _, _ =	vpop (xrf2)  }
0xa3: {  	(v2sf) =	vpush v4, $0xF;
	v4, _, _ =	vpop (xrf2)  }
0xa4: {  	(v2sf) =	vpush v4, $0xF  }
0xa5: {  	(v2sf) =	vpush v3, $0xF  }
0xa6: {  	(v2sf) =	vpush v5, $0xF;
	v3, _, _ =	vpop (xrf2)  }
0xa7: {  	(v2sf) =	vpush v3, $0xF;
	_ =	sdelay $0x3  }
0xa8: {  	s18 =	spop (v2sf)  }
0xa9: {  	s19 =	spop (v2sf);
	s17 =	smax.f32 s17, s18  }
0xaa: {  	s17 =	smax.f32 s17, s19;
	s29 =	spop (v2sf)  }
0xab: {  	s30 =	spop (v2sf);
	s17 =	smax.f32 s17, s29  }
0xac: {  	s17 =	smax.f32 s17, s30;
	s31 =	spop (v2sf)  }
0xad: {  	s17 =	smax.f32 s17, s31;
	s19 =	spop (v2sf)  }
0xae: {  	s17 =	smax.f32 s17, s19;
	s20 =	spop (v2sf)  }
0xaf: {  	s17 =	smax.f32 s17, s20;
	s21 =	spop (v2sf)  }
0xb0: {  	s17 =	smax.f32 s17, s21;
	s22 =	spop (v2sf)  }
0xb1: {  	s17 =	smax.f32 s17, s22;
	s23 =	spop (v2sf)  }
0xb2: {  	s17 =	smax.f32 s17, s23;
	s24 =	spop (v2sf)  }
0xb3: {  	s17 =	smax.f32 s17, s24;
	s25 =	spop (v2sf)  }
0xb4: {  	s17 =	smax.f32 s17, s25  }
0xb5: {  	v3 =	vmov s17  }
0xb6: {  	s26 =	simm.s32 $0x11030;
	[tilespmem:$0x14000] =	vst v3  }
0xb7: {  	s28 =	simm.s32 $0x0;
	v3 =	vld [tilespmem:s26+$0xFFFFFFF0]  }
0xb8: {  	s18 =	sand.u32 $0xFC0, s28;
	v4 =	vld [tilespmem:s26+$0xFFFFFFE0]  }
0xb9: {  	v5 =	vld [tilespmem:s18+$0x11000];
	_ =	sdelay $0x2  }
0xba: {  	v6 =	vld [tilespmem:s26+$0x0];
	(xrf2) =	vadd.scan.msk.f32 $0xffff, v3  }
0xbb: {  	(xrf2) =	vadd.scan.msk.f32 $0xffff, v4  }
0xbc: {  	s29 =	simm.s32 $0x11070;
	(xrf2) =	vadd.scan.msk.f32 $0xffff, v5  }
0xbd: {  	s30 =	simm.s32 $0x40;
	v7 =	vld [tilespmem:s29+$0xFFFFFFF0]  }
0xbe: {  	s18 =	sand.u32 $0xFC0, s30;
	v3 =	vld [tilespmem:s29+$0xFFFFFFE0]  }
0xbf: {  	v4 =	vld [tilespmem:s18+$0x11000];
	(xrf2) =	vadd.scan.msk.f32 $0xffff, v6;
	_ =	sdelay $0x2  }
0xc0: {  	(xrf2) =	vadd.scan.msk.f32 $0xffff, v7  }
0xc1: {  	(xrf2) =	vadd.scan.msk.f32 $0xffff, v3  }
0xc2: {  	(xrf2) =	vadd.scan.msk.f32 $0xffff, v4;
	v4, _, _ =	vpop (xrf2)  }
0xc3: {  	v3, _, _ =	vpop (xrf2)  }
0xc4: {  	v5 =	vld [tilespmem:s29+$0x0];
	v7, _, _ =	vpop (xrf2)  }
0xc5: {  	(v2sf) =	vpush v7, $0xF  }
0xc6: {  	s20 =	simm.s32 $0x110B0;
	(v2sf) =	vpush v3, $0xF  }
0xc7: {  	v6 =	vld [tilespmem:s20+$0xFFFFFFF0];
	v7, _, _ =	vpop (xrf2);
	(v2sf) =	vpush v4, $0xF  }
0xc8: {  	(v2sf) =	vpush v7, $0xF  }
0xc9: {  	(xrf2) =	vadd.scan.msk.f32 $0xffff, v5  }
0xca: {  	v8 =	vld [tilespmem:s20+$0xFFFFFFE0]  }
0xcb: {  	s17 =	simm.s32 $0x80;
	v3, _, _ =	vpop (xrf2)  }
0xcc: {  	s31 =	sand.u32 $0xFC0, s17;
	(xrf2) =	vadd.scan.msk.f32 $0xffff, v6;
	v5, _, _ =	vpop (xrf2)  }
0xcd: {  	v9 =	vld [tilespmem:s31+$0x11000];
	v4, _, _ =	vpop (xrf2)  }
0xce: {  	(v2sf) =	vpush v4, $0xF  }
0xcf: {  	(xrf2) =	vadd.scan.msk.f32 $0xffff, v8;
	(v2sf) =	vpush v5, $0xF  }
0xd0: {  	v4 =	vld [tilespmem:s20+$0x0];
	_ =	sdelay $0x1  }
0xd1: {  	s19 =	simm.s32 $0x8;
	s18 =	simm.f32 $0.0e+00;
	(xrf2) =	vadd.scan.msk.f32 $0xffff, v9;
	s20 =	simm.s32 $0x110F0  }
.LBB2_12:
0xd2: {  	v5 =	vld [tilespmem:s20+$0xFFFFFFF0];
	(v2sf) =	vpush v3, $0xF;
	v3, _, _ =	vpop (xrf2)  }
0xd3: {  	(v2sf) =	vpush v3, $0xF;
	s21 =	spop (v2sf)  }
0xd4: {  	(xrf2) =	vadd.scan.msk.f32 $0xffff, v4;
	s18 =	smax.f32 s18, s21;
	s21 =	spop (v2sf)  }
0xd5: {  	v4 =	vld [tilespmem:s20+$0xFFFFFFE0];
	v3, _, _ =	vpop (xrf2);
	s18 =	smax.f32 s18, s21;
	s21 =	spop (v2sf)  }
0xd6: {  	s17 =	sadd.s32 $0x40, s17;
	s18 =	smax.f32 s18, s21;
	s21 =	spop (v2sf)  }
0xd7: {  	s19 =	sadd.s32 $0x4, s19;
	s22 =	sand.u32 $0xFC0, s17;
	(xrf2) =	vadd.scan.msk.f32 $0xffff, v5;
	s18 =	smax.f32 s18, s21  }
0xd8: {  	p0 =	slt.u32 s19, $0xFC;
	v5 =	vld [tilespmem:s22+$0x11000];
	v6, _, _ =	vpop (xrf2)  }
.Ltmp6:
0xd9: {  	(pc) =	sbr.rel @p0 .LBB2_12-.Ltmp6, $4  }
0xda: {  	(xrf2) =	vadd.scan.msk.f32 $0xffff, v4  }
0xdb: {  	v4 =	vld [tilespmem:s20+$0x0];
	v7, _, _ =	vpop (xrf2)  }
0xdc: {  	(v2sf) =	vpush v7, $0xF  }
0xdd: {  	s20 =	sadd.s32 $0x40, s20;
	(xrf2) =	vadd.scan.msk.f32 $0xffff, v5;
	(v2sf) =	vpush v6, $0xF  }
0xde: {  	_ =	sdelay $0x1  }
0xdf: {  	(xrf2) =	vadd.scan.msk.f32 $0xffff, v4;
	_ =	sdelay $0x3  }
0xe0: {  	v4, _, _ =	vpop (xrf2)  }
0xe1: {  	v5, _, _ =	vpop (xrf2)  }
0xe2: {  	(v2sf) =	vpush v3, $0xF;
	v3, _, _ =	vpop (xrf2)  }
0xe3: {  	(v2sf) =	vpush v4, $0xF;
	v4, _, _ =	vpop (xrf2)  }
0xe4: {  	(v2sf) =	vpush v4, $0xF  }
0xe5: {  	(v2sf) =	vpush v3, $0xF  }
0xe6: {  	(v2sf) =	vpush v5, $0xF;
	v3, _, _ =	vpop (xrf2)  }
0xe7: {  	(v2sf) =	vpush v3, $0xF;
	_ =	sdelay $0x3  }
0xe8: {  	s17 =	spop (v2sf)  }
0xe9: {  	s19 =	spop (v2sf);
	s17 =	smax.f32 s18, s17  }
0xea: {  	s17 =	smax.f32 s17, s19;
	s29 =	spop (v2sf)  }
0xeb: {  	s30 =	spop (v2sf);
	s17 =	smax.f32 s17, s29  }
0xec: {  	s17 =	smax.f32 s17, s30;
	s31 =	spop (v2sf)  }
0xed: {  	s17 =	smax.f32 s17, s31;
	s19 =	spop (v2sf)  }
0xee: {  	s17 =	smax.f32 s17, s19;
	s20 =	spop (v2sf)  }
0xef: {  	s17 =	smax.f32 s17, s20;
	s21 =	spop (v2sf)  }
0xf0: {  	s17 =	smax.f32 s17, s21;
	s22 =	spop (v2sf)  }
0xf1: {  	s17 =	smax.f32 s17, s22;
	s23 =	spop (v2sf)  }
0xf2: {  	s17 =	smax.f32 s17, s23;
	s24 =	spop (v2sf)  }
0xf3: {  	s17 =	smax.f32 s17, s24;
	s25 =	spop (v2sf)  }
0xf4: {  	s17 =	smax.f32 s17, s25  }
0xf5: {  	v3 =	vmov s17  }
0xf6: {  	s26 =	simm.s32 $0x12030;
	[tilespmem:$0x14010] =	vst v3  }
0xf7: {  	s28 =	simm.s32 $0x0;
	v3 =	vld [tilespmem:s26+$0xFFFFFFF0]  }
0xf8: {  	s18 =	sand.u32 $0xFC0, s28;
	v4 =	vld [tilespmem:s26+$0xFFFFFFE0]  }
0xf9: {  	v5 =	vld [tilespmem:s18+$0x12000];
	_ =	sdelay $0x2  }
0xfa: {  	v6 =	vld [tilespmem:s26+$0x0];
	(xrf2) =	vadd.scan.msk.f32 $0xffff, v3  }
0xfb: {  	(xrf2) =	vadd.scan.msk.f32 $0xffff, v4  }
0xfc: {  	s29 =	simm.s32 $0x12070;
	(xrf2) =	vadd.scan.msk.f32 $0xffff, v5  }
0xfd: {  	s30 =	simm.s32 $0x40;
	v7 =	vld [tilespmem:s29+$0xFFFFFFF0]  }
0xfe: {  	s18 =	sand.u32 $0xFC0, s30;
	v3 =	vld [tilespmem:s29+$0xFFFFFFE0]  }
0xff: {  	v4 =	vld [tilespmem:s18+$0x12000];
	(xrf2) =	vadd.scan.msk.f32 $0xffff, v6;
	_ =	sdelay $0x2  }
0x100: {  	(xrf2) =	vadd.scan.msk.f32 $0xffff, v7  }
0x101: {  	(xrf2) =	vadd.scan.msk.f32 $0xffff, v3  }
0x102: {  	(xrf2) =	vadd.scan.msk.f32 $0xffff, v4;
	v4, _, _ =	vpop (xrf2)  }
0x103: {  	v3, _, _ =	vpop (xrf2)  }
0x104: {  	v5 =	vld [tilespmem:s29+$0x0];
	v7, _, _ =	vpop (xrf2)  }
0x105: {  	(v2sf) =	vpush v7, $0xF  }
0x106: {  	s20 =	simm.s32 $0x120B0;
	(v2sf) =	vpush v3, $0xF  }
0x107: {  	v6 =	vld [tilespmem:s20+$0xFFFFFFF0];
	v7, _, _ =	vpop (xrf2);
	(v2sf) =	vpush v4, $0xF  }
0x108: {  	(v2sf) =	vpush v7, $0xF  }
0x109: {  	(xrf2) =	vadd.scan.msk.f32 $0xffff, v5  }
0x10a: {  	v8 =	vld [tilespmem:s20+$0xFFFFFFE0]  }
0x10b: {  	s17 =	simm.s32 $0x80;
	v3, _, _ =	vpop (xrf2)  }
0x10c: {  	s31 =	sand.u32 $0xFC0, s17;
	(xrf2) =	vadd.scan.msk.f32 $0xffff, v6;
	v5, _, _ =	vpop (xrf2)  }
0x10d: {  	v9 =	vld [tilespmem:s31+$0x12000];
	v4, _, _ =	vpop (xrf2)  }
0x10e: {  	(v2sf) =	vpush v4, $0xF  }
0x10f: {  	(xrf2) =	vadd.scan.msk.f32 $0xffff, v8;
	(v2sf) =	vpush v5, $0xF  }
0x110: {  	v4 =	vld [tilespmem:s20+$0x0];
	_ =	sdelay $0x1  }
0x111: {  	s19 =	simm.s32 $0x8;
	s18 =	simm.f32 $0.0e+00;
	(xrf2) =	vadd.scan.msk.f32 $0xffff, v9;
	s20 =	simm.s32 $0x120F0  }
.LBB2_14:
0x112: {  	v5 =	vld [tilespmem:s20+$0xFFFFFFF0];
	(v2sf) =	vpush v3, $0xF;
	v3, _, _ =	vpop (xrf2)  }
0x113: {  	(v2sf) =	vpush v3, $0xF;
	s21 =	spop (v2sf)  }
0x114: {  	(xrf2) =	vadd.scan.msk.f32 $0xffff, v4;
	s18 =	smax.f32 s18, s21;
	s21 =	spop (v2sf)  }
0x115: {  	v4 =	vld [tilespmem:s20+$0xFFFFFFE0];
	v3, _, _ =	vpop (xrf2);
	s18 =	smax.f32 s18, s21;
	s21 =	spop (v2sf)  }
0x116: {  	s17 =	sadd.s32 $0x40, s17;
	s18 =	smax.f32 s18, s21;
	s21 =	spop (v2sf)  }
0x117: {  	s19 =	sadd.s32 $0x4, s19;
	s22 =	sand.u32 $0xFC0, s17;
	(xrf2) =	vadd.scan.msk.f32 $0xffff, v5;
	s18 =	smax.f32 s18, s21  }
0x118: {  	p0 =	slt.u32 s19, $0xFC;
	v5 =	vld [tilespmem:s22+$0x12000];
	v6, _, _ =	vpop (xrf2)  }
.Ltmp7:
0x119: {  	(pc) =	sbr.rel @p0 .LBB2_14-.Ltmp7, $4  }
0x11a: {  	(xrf2) =	vadd.scan.msk.f32 $0xffff, v4  }
0x11b: {  	v4 =	vld [tilespmem:s20+$0x0];
	v7, _, _ =	vpop (xrf2)  }
0x11c: {  	(v2sf) =	vpush v7, $0xF  }
0x11d: {  	s20 =	sadd.s32 $0x40, s20;
	(xrf2) =	vadd.scan.msk.f32 $0xffff, v5;
	(v2sf) =	vpush v6, $0xF  }
0x11e: {  	_ =	sdelay $0x1  }
0x11f: {  	(xrf2) =	vadd.scan.msk.f32 $0xffff, v4;
	_ =	sdelay $0x3  }
0x120: {  	v4, _, _ =	vpop (xrf2)  }
0x121: {  	v5, _, _ =	vpop (xrf2)  }
0x122: {  	(v2sf) =	vpush v3, $0xF;
	v3, _, _ =	vpop (xrf2)  }
0x123: {  	(v2sf) =	vpush v4, $0xF;
	v4, _, _ =	vpop (xrf2)  }
0x124: {  	(v2sf) =	vpush v4, $0xF  }
0x125: {  	(v2sf) =	vpush v3, $0xF  }
0x126: {  	(v2sf) =	vpush v5, $0xF;
	v3, _, _ =	vpop (xrf2)  }
0x127: {  	(v2sf) =	vpush v3, $0xF;
	_ =	sdelay $0x3  }
0x128: {  	s17 =	spop (v2sf)  }
0x129: {  	s19 =	spop (v2sf);
	s17 =	smax.f32 s18, s17  }
0x12a: {  	s17 =	smax.f32 s17, s19;
	s29 =	spop (v2sf)  }
0x12b: {  	s30 =	spop (v2sf);
	s17 =	smax.f32 s17, s29  }
0x12c: {  	s17 =	smax.f32 s17, s30;
	s31 =	spop (v2sf)  }
0x12d: {  	s17 =	smax.f32 s17, s31;
	s19 =	spop (v2sf)  }
0x12e: {  	s17 =	smax.f32 s17, s19;
	s20 =	spop (v2sf)  }
0x12f: {  	s17 =	smax.f32 s17, s20;
	s21 =	spop (v2sf)  }
0x130: {  	s17 =	smax.f32 s17, s21;
	s22 =	spop (v2sf)  }
0x131: {  	s17 =	smax.f32 s17, s22;
	s23 =	spop (v2sf)  }
0x132: {  	s17 =	smax.f32 s17, s23;
	s24 =	spop (v2sf)  }
0x133: {  	s17 =	smax.f32 s17, s24;
	s25 =	spop (v2sf)  }
0x134: {  	s17 =	smax.f32 s17, s25  }
0x135: {  	v3 =	vmov s17  }
0x136: {  	s26 =	simm.s32 $0x13030;
	[tilespmem:$0x14020] =	vst v3  }
0x137: {  	s28 =	simm.s32 $0x0;
	v3 =	vld [tilespmem:s26+$0xFFFFFFF0]  }
0x138: {  	s18 =	sand.u32 $0xFC0, s28;
	v4 =	vld [tilespmem:s26+$0xFFFFFFE0]  }
0x139: {  	v5 =	vld [tilespmem:s18+$0x13000];
	_ =	sdelay $0x2  }
0x13a: {  	v6 =	vld [tilespmem:s26+$0x0];
	(xrf2) =	vadd.scan.msk.f32 $0xffff, v3  }
0x13b: {  	(xrf2) =	vadd.scan.msk.f32 $0xffff, v4  }
0x13c: {  	s29 =	simm.s32 $0x13070;
	(xrf2) =	vadd.scan.msk.f32 $0xffff, v5  }
0x13d: {  	s30 =	simm.s32 $0x40;
	v7 =	vld [tilespmem:s29+$0xFFFFFFF0]  }
0x13e: {  	s18 =	sand.u32 $0xFC0, s30;
	v3 =	vld [tilespmem:s29+$0xFFFFFFE0]  }
0x13f: {  	v4 =	vld [tilespmem:s18+$0x13000];
	(xrf2) =	vadd.scan.msk.f32 $0xffff, v6;
	_ =	sdelay $0x2  }
0x140: {  	(xrf2) =	vadd.scan.msk.f32 $0xffff, v7  }
0x141: {  	(xrf2) =	vadd.scan.msk.f32 $0xffff, v3  }
0x142: {  	(xrf2) =	vadd.scan.msk.f32 $0xffff, v4;
	v4, _, _ =	vpop (xrf2)  }
0x143: {  	v3, _, _ =	vpop (xrf2)  }
0x144: {  	v5 =	vld [tilespmem:s29+$0x0];
	v7, _, _ =	vpop (xrf2)  }
0x145: {  	(v2sf) =	vpush v7, $0xF  }
0x146: {  	s20 =	simm.s32 $0x130B0;
	(v2sf) =	vpush v3, $0xF  }
0x147: {  	v6 =	vld [tilespmem:s20+$0xFFFFFFF0];
	v7, _, _ =	vpop (xrf2);
	(v2sf) =	vpush v4, $0xF  }
0x148: {  	(v2sf) =	vpush v7, $0xF  }
0x149: {  	(xrf2) =	vadd.scan.msk.f32 $0xffff, v5  }
0x14a: {  	v8 =	vld [tilespmem:s20+$0xFFFFFFE0]  }
0x14b: {  	s17 =	simm.s32 $0x80;
	v3, _, _ =	vpop (xrf2)  }
0x14c: {  	s31 =	sand.u32 $0xFC0, s17;
	(xrf2) =	vadd.scan.msk.f32 $0xffff, v6;
	v5, _, _ =	vpop (xrf2)  }
0x14d: {  	v9 =	vld [tilespmem:s31+$0x13000];
	v4, _, _ =	vpop (xrf2)  }
0x14e: {  	(v2sf) =	vpush v4, $0xF  }
0x14f: {  	(xrf2) =	vadd.scan.msk.f32 $0xffff, v8;
	(v2sf) =	vpush v5, $0xF  }
0x150: {  	v4 =	vld [tilespmem:s20+$0x0];
	_ =	sdelay $0x1  }
0x151: {  	s19 =	simm.s32 $0x8;
	s18 =	simm.f32 $0.0e+00;
	(xrf2) =	vadd.scan.msk.f32 $0xffff, v9;
	s20 =	simm.s32 $0x130F0  }
.LBB2_16:
0x152: {  	v5 =	vld [tilespmem:s20+$0xFFFFFFF0];
	(v2sf) =	vpush v3, $0xF;
	v3, _, _ =	vpop (xrf2)  }
0x153: {  	(v2sf) =	vpush v3, $0xF;
	s21 =	spop (v2sf)  }
0x154: {  	(xrf2) =	vadd.scan.msk.f32 $0xffff, v4;
	s18 =	smax.f32 s18, s21;
	s21 =	spop (v2sf)  }
0x155: {  	v4 =	vld [tilespmem:s20+$0xFFFFFFE0];
	v3, _, _ =	vpop (xrf2);
	s18 =	smax.f32 s18, s21;
	s21 =	spop (v2sf)  }
0x156: {  	s17 =	sadd.s32 $0x40, s17;
	s18 =	smax.f32 s18, s21;
	s21 =	spop (v2sf)  }
0x157: {  	s19 =	sadd.s32 $0x4, s19;
	s22 =	sand.u32 $0xFC0, s17;
	(xrf2) =	vadd.scan.msk.f32 $0xffff, v5;
	s18 =	smax.f32 s18, s21  }
0x158: {  	p0 =	slt.u32 s19, $0xFC;
	v5 =	vld [tilespmem:s22+$0x13000];
	v6, _, _ =	vpop (xrf2)  }
.Ltmp8:
0x159: {  	(pc) =	sbr.rel @p0 .LBB2_16-.Ltmp8, $4  }
0x15a: {  	(xrf2) =	vadd.scan.msk.f32 $0xffff, v4  }
0x15b: {  	v4 =	vld [tilespmem:s20+$0x0];
	v7, _, _ =	vpop (xrf2)  }
0x15c: {  	(v2sf) =	vpush v7, $0xF  }
0x15d: {  	s20 =	sadd.s32 $0x40, s20;
	(xrf2) =	vadd.scan.msk.f32 $0xffff, v5;
	(v2sf) =	vpush v6, $0xF  }
0x15e: {  	_ =	sdelay $0x1  }
0x15f: {  	(xrf2) =	vadd.scan.msk.f32 $0xffff, v4;
	_ =	sdelay $0x3  }
0x160: {  	v62, _, _ =	vpop (xrf2)  }
0x161: {  	v5, _, _ =	vpop (xrf2)  }
0x162: {  	(v2sf) =	vpush v3, $0xF;
	v3, _, _ =	vpop (xrf2)  }
0x163: {  	(v2sf) =	vpush v62, $0xF;
	v63, _, _ =	vpop (xrf2)  }
0x164: {  	(v2sf) =	vpush v63, $0xF  }
0x165: {  	(v2sf) =	vpush v3, $0xF  }
0x166: {  	(v2sf) =	vpush v5, $0xF;
	v3, _, _ =	vpop (xrf2)  }
0x167: {  	(v2sf) =	vpush v3, $0xF;
	_ =	sdelay $0x3  }
0x168: {  	s17 =	spop (v2sf)  }
0x169: {  	s17 =	smax.f32 s18, s17;
	s20 =	spop (v2sf)  }
0x16a: {  	s17 =	smax.f32 s17, s20;
	s21 =	spop (v2sf)  }
0x16b: {  	s17 =	smax.f32 s17, s21;
	s22 =	spop (v2sf)  }
0x16c: {  	s17 =	smax.f32 s17, s22;
	s23 =	spop (v2sf)  }
0x16d: {  	s17 =	smax.f32 s17, s23;
	s24 =	spop (v2sf)  }
0x16e: {  	s17 =	smax.f32 s17, s24;
	s25 =	spop (v2sf)  }
0x16f: {  	s17 =	smax.f32 s17, s25;
	s26 =	spop (v2sf)  }
0x170: {  	s17 =	smax.f32 s17, s26;
	s28 =	spop (v2sf)  }
0x171: {  	s17 =	smax.f32 s17, s28;
	s29 =	spop (v2sf)  }
0x172: {  	s17 =	smax.f32 s17, s29;
	s30 =	spop (v2sf)  }
0x173: {  	s17 =	smax.f32 s17, s30;
	s31 =	spop (v2sf)  }
0x174: {  	s16 =	sadd.s32 $0x1, s16;
	s17 =	smax.f32 s17, s31  }
0x175: {  	p0 =	sne.s32 s16, s9;
	v3 =	vmov s17  }
.Ltmp9:
0x176: {  	[tilespmem:$0x14030] =	vst v3;
	(pc) =	sbr.rel @p0 .LBB2_1-.Ltmp9, $4  }
0x177: {  	[hbm4b:s8+s3] =	stream.linear.scatter [tilespmem:s14], [sflag:$0x3], $0x80, $0x38;
	[tilespmem:$0x14080] =	vst v63  }
0x178: {  	_ =	swait.ge [sflag:s15], $0x80  }
0x179: {  	[sflag:s15] =	ssyncset.done $0x0  }
0x17a: {  	[sflag:s15] =	ssyncadd.s32 $0xFFFFFF80  }
0x17b: {  	_ =	sfence.sel $0x180000  }
0x17c: {  	[bflag:$0x0] =	sbarrier.arrive $0xFFFF  }
0x17d: {  	p0 =	sne.s32 s0, $0x0;
	_ =	strace $0x90000047  }
0x17e: {  	s0 =	sadd.s32 @!p0 $0x100000, s1;
	[bflag:$0x2] =	sbarrier.arrive $0xFFFF  }
0x17f: {  	[sflag:s0] =	ssyncadd.tile.s32 @!p0 $0x1;
	_ =	shalt  }
.Lfunc_end2:
_tile_overlayer_lowered:
.L_overlay_start_2:
0x180: {  	(tag) =	ssettag $0x2  }
0x181: {  	s0 =	rddreg [dreg:$0x0];
	s2 =	stileid.u32  }
0x182: {  	s1 =	rddreg [dreg:$0x1];
	p0 =	sne.s32 s2, $0x0  }
0x183: {  	s3 =	rddreg [dreg:$0x2];
	[bflag:$0x3] =	sbarrier.arrive $0xFFFF;
	s2 =	simm.s32 @!p0 $0x1C03  }
0x184: {  	[timem:s3], [sflag:s2] =	dma.local @!p0 [hbm:s0], s1  }
0x185: {  	s0 =	simm.s32 @!p0 $0x3  }
0x186: {  	_ =	swait.ge @!p0 [sflag:s0], s1  }
0x187: {  	s1 =	ssub.s32 @!p0 $0x0, s1;
	[sflag:s0] =	ssyncset.done @!p0 $0x0  }
0x188: {  	[sflag:s0] =	ssyncadd.s32 @!p0 s1  }
0x189: {  	[bflag:$0x3] =	sbarrier.arrive $0xFFFF  }
0x18a: {  	_ =	shalt  }

</sc_bundles>
